<compile_context>
chip_gen: v7x
topology: tpu7x:2x2x1
jax: 0.10.2.dev20260603
libtpu: 0.0.44.dev20260713+nightly
codegen_flags: <defaults>
</compile_context>

<pallas_src>
import functools

import jax
import jax.numpy as jnp
from jax import lax
from jax.experimental import pallas as pl
from jax.experimental.pallas import tpu as pltpu
from jax.experimental.pallas import tpu_sc as plsc

HIDDEN = 256
FF = 640
E = 3
TG = 512
T = 1024
NW = 32
CH = 128


def _gating_kernel(x_ref, gw_ref, gb_ref,
                   eid_ref, rank_ref, w16_ref, counts_ref, scores_ref,
                   utri_ref):
    i = pl.program_id(0)

    @pl.when(i == 0)
    def _init():
        for e in range(E):
            counts_ref[e] = 0.0
            scores_ref[e] = 0.0
        r = lax.broadcasted_iota(jnp.int32, (TG, TG), 0)
        c = lax.broadcasted_iota(jnp.int32, (TG, TG), 1)
        utri_ref[...] = (r < c).astype(jnp.bfloat16)

    x = x_ref[...]
    xb = x.astype(jnp.bfloat16)
    logits = jnp.dot(xb, gw_ref[...], preferred_element_type=jnp.float32)
    lt = jnp.transpose(logits, (1, 0))
    l0 = lt[0:1, :] + gb_ref[0]
    l1 = lt[1:2, :] + gb_ref[1]
    l2 = lt[2:3, :] + gb_ref[2]
    m = jnp.maximum(jnp.maximum(l0, l1), l2)
    s = jnp.exp(l0 - m) + jnp.exp(l1 - m) + jnp.exp(l2 - m)
    w = 1.0 / s
    eid = jnp.where(l0 >= l1,
                    jnp.where(l0 >= l2, 0, 2),
                    jnp.where(l1 >= l2, 1, 2)).astype(jnp.int32)

    srow = lax.broadcasted_iota(jnp.int32, (E, TG), 0)
    ohT = (jnp.broadcast_to(eid, (E, TG)) == srow).astype(jnp.float32)
    prefix = jnp.dot(ohT.astype(jnp.bfloat16), utri_ref[...],
                     preferred_element_type=jnp.float32)

    rank = jnp.zeros((1, TG), jnp.float32)
    for e in range(E):
        rank = rank + ohT[e:e + 1, :] * (prefix[e:e + 1, :] + counts_ref[e])

    eid_ref[0] = eid
    rank_ref[0] = rank.astype(jnp.int32)
    w16_ref[0] = w

    for e in range(E):
        counts_ref[e] += jnp.sum(ohT[e:e + 1, :])
        scores_ref[e] += jnp.sum(ohT[e:e + 1, :] * w)


def _gating(x_flat, gate_Wt, gate_b):
    N = x_flat.shape[0]
    NB = N // TG
    return pl.pallas_call(
        _gating_kernel,
        grid=(NB,),
        in_specs=[
            pl.BlockSpec((TG, HIDDEN), lambda i: (i, 0)),
            pl.BlockSpec((HIDDEN, E), lambda i: (0, 0)),
            pl.BlockSpec(memory_space=pltpu.SMEM),
        ],
        out_specs=[
            pl.BlockSpec((1, 1, TG), lambda i: (i, 0, 0)),
            pl.BlockSpec((1, 1, TG), lambda i: (i, 0, 0)),
            pl.BlockSpec((1, 1, TG), lambda i: (i, 0, 0)),
            pl.BlockSpec(memory_space=pltpu.SMEM),
            pl.BlockSpec(memory_space=pltpu.SMEM),
        ],
        out_shape=[
            jax.ShapeDtypeStruct((NB, 1, TG), jnp.int32),
            jax.ShapeDtypeStruct((NB, 1, TG), jnp.int32),
            jax.ShapeDtypeStruct((NB, 1, TG), jnp.float32),
            jax.ShapeDtypeStruct((E,), jnp.float32),
            jax.ShapeDtypeStruct((E,), jnp.float32),
        ],
        scratch_shapes=[pltpu.VMEM((TG, TG), jnp.bfloat16)],
    )(x_flat, gate_Wt, gate_b)


def _sc_idx_table(eid_v, rank_v, ps1_v, ps2_v, idx_buf, bpw):
    @pl.loop(0, bpw // CH)
    def _(c):
        @pl.loop(0, CH, step=16)
        def _(g):
            ev = eid_v[pl.ds(c * CH + g, 16)]
            rv = rank_v[pl.ds(c * CH + g, 16)]
            z = jnp.zeros((16,), jnp.int32)
            pos = (rv + jnp.where(ev == 1, ps1_v[...], z)
                   + jnp.where(ev == 2, ps2_v[...], z))
            idx_buf.at[c][pl.ds(g, 16)] = pos


def _dispatch(x_flat, eid, rank, ps1, ps2, P):
    N, d = x_flat.shape
    BPW = N // NW
    mesh = plsc.VectorSubcoreMesh(core_axis_name="c", subcore_axis_name="s")

    @functools.partial(
        pl.kernel, mesh=mesh,
        out_type=jax.ShapeDtypeStruct((P, d), jnp.float32),
        scratch_types=[
            pltpu.VMEM((N // NW,), jnp.int32),
            pltpu.VMEM((N // NW,), jnp.int32),
            pltpu.VMEM((N // NW // CH, CH), jnp.int32),
            pltpu.VMEM((16,), jnp.int32),
            pltpu.VMEM((16,), jnp.int32),
            pltpu.VMEM((CH, HIDDEN), jnp.float32),
            pltpu.VMEM((CH, HIDDEN), jnp.float32),
            pltpu.SemaphoreType.DMA,
            pltpu.SemaphoreType.DMA,
            pltpu.SemaphoreType.DMA,
            pltpu.SemaphoreType.DMA,
        ],
    )
    def k(x_hbm, eid_hbm, rank_hbm, ps1_hbm, ps2_hbm, xs_hbm,
          eid_v, rank_v, idx_buf, ps1_v, ps2_v,
          xb0, xb1, semr0, semr1, sems0, sems1):
        wid = lax.axis_index("s") * 2 + lax.axis_index("c")
        base = wid * BPW
        nch = BPW // CH
        xbuf = (xb0, xb1)
        semr = (semr0, semr1)
        sems = (sems0, sems1)
        pltpu.sync_copy(ps1_hbm, ps1_v)
        pltpu.sync_copy(ps2_hbm, ps2_v)
        pltpu.sync_copy(eid_hbm.at[pl.ds(base, BPW)], eid_v)
        pltpu.sync_copy(rank_hbm.at[pl.ds(base, BPW)], rank_v)
        _sc_idx_table(eid_v, rank_v, ps1_v, ps2_v, idx_buf, BPW)

        def rd(b, c):
            row0 = base + c * CH
            return pltpu.make_async_copy(x_hbm.at[pl.ds(row0, CH)],
                                         xbuf[b], semr[b])

        def sc(b, c):
            return pltpu.make_async_copy(xbuf[b], xs_hbm.at[idx_buf.at[c]],
                                         sems[b])

        rd(0, 0).start()
        rd(1, 1).start()

        @pl.loop(0, nch, step=2)
        def _(c0):
            for b in range(2):
                c = c0 + b
                rd(b, c).wait()
                sc(b, c).start()

                @pl.when(c + 2 < nch)
                def _():
                    sc(b, c).wait()
                    rd(b, c + 2).start()

        for b in range(2):
            sc(b, nch - 2 + b).wait()

    return k(x_flat, eid, rank, ps1, ps2)


def _combine(ys, eid, rank, ps1, ps2, N):
    P, d = ys.shape
    BPW = N // NW
    mesh = plsc.VectorSubcoreMesh(core_axis_name="c", subcore_axis_name="s")

    @functools.partial(
        pl.kernel, mesh=mesh,
        out_type=jax.ShapeDtypeStruct((N, d), jnp.float32),
        scratch_types=[
            pltpu.VMEM((N // NW,), jnp.int32),
            pltpu.VMEM((N // NW,), jnp.int32),
            pltpu.VMEM((N // NW // CH, CH), jnp.int32),
            pltpu.VMEM((16,), jnp.int32),
            pltpu.VMEM((16,), jnp.int32),
            pltpu.VMEM((CH, HIDDEN), jnp.float32),
            pltpu.VMEM((CH, HIDDEN), jnp.float32),
            pltpu.SemaphoreType.DMA,
            pltpu.SemaphoreType.DMA,
            pltpu.SemaphoreType.DMA,
            pltpu.SemaphoreType.DMA,
        ],
    )
    def k(ys_hbm, eid_hbm, rank_hbm, ps1_hbm, ps2_hbm, g_hbm,
          eid_v, rank_v, idx_buf, ps1_v, ps2_v,
          yb0, yb1, semg0, semg1, semw0, semw1):
        wid = lax.axis_index("s") * 2 + lax.axis_index("c")
        base = wid * BPW
        nch = BPW // CH
        ybuf = (yb0, yb1)
        semg = (semg0, semg1)
        semw = (semw0, semw1)
        pltpu.sync_copy(ps1_hbm, ps1_v)
        pltpu.sync_copy(ps2_hbm, ps2_v)
        pltpu.sync_copy(eid_hbm.at[pl.ds(base, BPW)], eid_v)
        pltpu.sync_copy(rank_hbm.at[pl.ds(base, BPW)], rank_v)
        _sc_idx_table(eid_v, rank_v, ps1_v, ps2_v, idx_buf, BPW)

        def ga(b, c):
            return pltpu.make_async_copy(ys_hbm.at[idx_buf.at[c]],
                                         ybuf[b], semg[b])

        def wr(b, c):
            row0 = base + c * CH
            return pltpu.make_async_copy(ybuf[b], g_hbm.at[pl.ds(row0, CH)],
                                         semw[b])

        ga(0, 0).start()
        ga(1, 1).start()

        @pl.loop(0, nch, step=2)
        def _(c0):
            for b in range(2):
                c = c0 + b
                ga(b, c).wait()
                wr(b, c).start()

                @pl.when(c + 2 < nch)
                def _():
                    wr(b, c).wait()
                    ga(b, c + 2).start()

        for b in range(2):
            wr(b, nch - 2 + b).wait()

    return k(ys, eid, rank, ps1, ps2)


def _expert_kernel(eids_ref, xs_ref, fcw_ref, fcb_ref, ow_ref, ob_ref,
                   ys_ref):
    xb = xs_ref[...].astype(jnp.bfloat16)
    h = jnp.dot(xb, fcw_ref[0], preferred_element_type=jnp.float32)
    h = h + fcb_ref[0]
    x1 = h[:, :FF]
    x2 = h[:, FF:]
    g = x1 * (0.5 * x2 * (1.0 + lax.erf(x2 * 0.7071067811865476)))
    y = jnp.dot(g.astype(jnp.bfloat16), ow_ref[0],
                preferred_element_type=jnp.float32)
    ys_ref[...] = y + ob_ref[0]


def _experts(xs, eids, fc_Wt, fc_b, out_Wt, out_b):
    P, d = xs.shape
    NT = P // T
    grid_spec = pltpu.PrefetchScalarGridSpec(
        num_scalar_prefetch=1,
        grid=(NT,),
        in_specs=[
            pl.BlockSpec((T, d), lambda i, eids: (i, 0)),
            pl.BlockSpec((1, d, 2 * FF), lambda i, eids: (eids[i], 0, 0)),
            pl.BlockSpec((1, 1, 2 * FF), lambda i, eids: (eids[i], 0, 0)),
            pl.BlockSpec((1, FF, d), lambda i, eids: (eids[i], 0, 0)),
            pl.BlockSpec((1, 1, d), lambda i, eids: (eids[i], 0, 0)),
        ],
        out_specs=pl.BlockSpec((T, d), lambda i, eids: (i, 0)),
    )
    return pl.pallas_call(
        _expert_kernel,
        grid_spec=grid_spec,
        out_shape=jax.ShapeDtypeStruct((P, d), jnp.float32),
    )(eids, xs, fc_Wt, fc_b.reshape(E, 1, 2 * FF), out_Wt,
      out_b.reshape(E, 1, HIDDEN))


def _scale_kernel(g_ref, w_ref, out_ref):
    wt = jnp.transpose(w_ref[0], (1, 0))
    out_ref[...] = g_ref[...] * wt


def _scale(gathered, w3):
    N, d = gathered.shape
    NB = N // TG
    return pl.pallas_call(
        _scale_kernel,
        grid=(NB,),
        in_specs=[
            pl.BlockSpec((TG, d), lambda i: (i, 0)),
            pl.BlockSpec((1, 1, TG), lambda i: (i, 0, 0)),
        ],
        out_specs=pl.BlockSpec((TG, d), lambda i: (i, 0)),
        out_shape=jax.ShapeDtypeStruct((N, d), jnp.float32),
    )(gathered, w3)


@jax.jit
def kernel(x, gate_W, gate_b, fc_W, fc_b, out_W, out_b):
    B, S, d = x.shape
    N = B * S
    P = N + E * T
    x_flat = x.reshape(N, d)
    gate_Wt = gate_W.T.astype(jnp.bfloat16)
    fc_Wt = fc_W.transpose(0, 2, 1).astype(jnp.bfloat16)
    out_Wt = out_W.transpose(0, 2, 1).astype(jnp.bfloat16)

    eid3, rank3, w3, counts, scores = _gating(x_flat, gate_Wt, gate_b)
    eid = eid3.reshape(N)
    rank = rank3.reshape(N)

    counts_i = counts.astype(jnp.int32)
    cpad = ((counts_i + T - 1) // T) * T
    ps1 = cpad[0]
    ps2 = cpad[0] + cpad[1]
    ps1v = jnp.full((16,), 1, jnp.int32) * ps1
    ps2v = jnp.full((16,), 1, jnp.int32) * ps2
    NT = P // T
    t_idx = jnp.arange(NT, dtype=jnp.int32)
    eids = ((t_idx >= ps1 // T).astype(jnp.int32)
            + (t_idx >= ps2 // T).astype(jnp.int32))

    xs = _dispatch(x_flat, eid, rank, ps1v, ps2v, P)
    ys = _experts(xs, eids, fc_Wt, fc_b, out_Wt, out_b)
    gathered = _combine(ys, eid, rank, ps1v, ps2v, N)
    out = _scale(gathered, w3)

    usage = scores / (counts + 1e-08)
    loss = jnp.sum((usage - 1.0 / E) ** 2)
    return out.reshape(B, S, d), loss

# --- scband reference (transcript-rebuilt; emitter-appended) ---
"""Pipeline reference for scband-mo-efeed-forward-60730837566373 (READ-ONLY COPY).

The authoritative reference and input builder live on the scoring server;
editing this copy changes nothing except your own understanding.
"""

import jax, jax.numpy as jnp
import numpy as np

HIDDEN = 256
FF = 640
NUM_EXPERTS = 3

def setup_inputs(seed: int = 0) -> dict:
    key = jax.random.key(seed)
    ks = jax.random.split(key, 8)
    x = jax.random.normal(ks[0], (4, 8192, HIDDEN), dtype=jnp.float32)
    s = 1.0 / np.sqrt(HIDDEN)
    gate_W = jax.random.uniform(ks[1], (NUM_EXPERTS, HIDDEN), minval=-s, maxval=s, dtype=jnp.float32)
    gate_b = jax.random.uniform(ks[2], (NUM_EXPERTS,), minval=-s, maxval=s, dtype=jnp.float32)
    fc_W = jax.random.uniform(ks[3], (NUM_EXPERTS, 2 * FF, HIDDEN), minval=-s, maxval=s, dtype=jnp.float32)
    fc_b = jax.random.uniform(ks[4], (NUM_EXPERTS, 2 * FF), minval=-s, maxval=s, dtype=jnp.float32)
    so = 1.0 / np.sqrt(FF)
    out_W = jax.random.uniform(ks[5], (NUM_EXPERTS, HIDDEN, FF), minval=-so, maxval=so, dtype=jnp.float32)
    out_b = jax.random.uniform(ks[6], (NUM_EXPERTS, HIDDEN), minval=-so, maxval=so, dtype=jnp.float32)
    return {"x": x, "gate_W": gate_W, "gate_b": gate_b, "fc_W": fc_W, "fc_b": fc_b, "out_W": out_W, "out_b": out_b}

def reference(x, gate_W, gate_b, fc_W, fc_b, out_W, out_b):
    B, S, d = x.shape
    E = fc_W.shape[0]
    gate_logits = x @ gate_W.T + gate_b
    gate_probs = jax.nn.softmax(gate_logits, axis=-1)
    expert_weights = jnp.max(gate_probs, axis=-1)
    expert_indices = jnp.argmax(gate_probs, axis=-1)
    x_flat = x.reshape(-1, d)
    ei_flat = expert_indices.reshape(-1)
    ew_flat = expert_weights.reshape(-1)
    output_flat = jnp.zeros((x_flat.shape[0], d), dtype=x.dtype)
    scores_sum = jnp.zeros((E,), dtype=jnp.float32)
    counts = jnp.zeros((E,), dtype=jnp.float32)
    for e in range(E):
        mask = (ei_flat == e)
        h = x_flat @ fc_W[e].T + fc_b[e]
        x1, x2 = jnp.split(h, 2, axis=-1)
        eo = (x1 * jax.nn.gelu(x2, approximate=False)) @ out_W[e].T + out_b[e]
        output_flat = jnp.where(mask[:, None], eo * ew_flat[:, None], output_flat)
        scores_sum = scores_sum.at[e].add(jnp.sum(jnp.where(mask, ew_flat, 0.0)))
        counts = counts.at[e].add(jnp.sum(mask.astype(jnp.float32)))
    expert_usage = scores_sum / (counts + 1e-08)
    utilization_loss = jnp.sum((expert_usage - 1.0 / E) ** 2)
    output = output_flat.reshape(B, S, -1)
    return (output, utilization_loss)

if __name__ == "__main__":
    import jax
    _d = setup_inputs()
    print(jax.jit(kernel)(*tuple(_d.values())))

</pallas_src>

<mosaic_0001>
#map = affine_map<(d0, d1) -> (0, 0)>
#map1 = affine_map<(d0, d1) -> (0)>
module attributes {stable_mosaic.version = 14 : i64} {
  func.func @k(%arg0: i32, %arg1: i32, %arg2: memref<32768x256xf32, #tpu.memory_space<hbm>>, %arg3: memref<32768xi32, #tpu.memory_space<hbm>>, %arg4: memref<32768xi32, #tpu.memory_space<hbm>>, %arg5: memref<16xi32, #tpu.memory_space<hbm>>, %arg6: memref<16xi32, #tpu.memory_space<hbm>>, %arg7: memref<35840x256xf32, #tpu.memory_space<hbm>>, %arg8: memref<1024xi32, #tpu.memory_space<vmem>>, %arg9: memref<1024xi32, #tpu.memory_space<vmem>>, %arg10: memref<8x128xi32, #tpu.memory_space<vmem>>, %arg11: memref<16xi32, #tpu.memory_space<vmem>>, %arg12: memref<16xi32, #tpu.memory_space<vmem>>, %arg13: memref<128x256xf32, #tpu.memory_space<vmem>>, %arg14: memref<128x256xf32, #tpu.memory_space<vmem>>, %arg15: memref<!tpu.dma_semaphore, #tpu.memory_space<semaphore_mem>>, %arg16: memref<!tpu.dma_semaphore, #tpu.memory_space<semaphore_mem>>, %arg17: memref<!tpu.dma_semaphore, #tpu.memory_space<semaphore_mem>>, %arg18: memref<!tpu.dma_semaphore, #tpu.memory_space<semaphore_mem>>) attributes {dimension_semantics = [#tpu.dimension_semantics<core_parallel>, #tpu.dimension_semantics<subcore_parallel>], iteration_bounds = array<i64: 2, 16>, scalar_prefetch = 0 : i64, scratch_operands = 11 : i64, tpu.core_type = #tpu.core_type<sc_vector_subcore>, window_params = [{transform_indices = #map}, {transform_indices = #map1}, {transform_indices = #map1}, {transform_indices = #map1}, {transform_indices = #map1}, {transform_indices = #map}]} {
    %mul3A = arith.constant 2 : i32
    %mul3A_0 = arith.muli %arg1, %mul3A : i32
    %add3A = arith.addi %mul3A_0, %arg0 : i32
    %mul3A_1 = arith.constant 1024 : i32
    %mul3A_2 = arith.muli %add3A, %mul3A_1 : i32
    "tpu.region"() ({
      %run_scoped3A = tpu.sem_alloc : memref<!tpu.dma_semaphore, #tpu.memory_space<semaphore_mem>>
      tpu.enqueue_dma source(%arg5 : memref<16xi32, #tpu.memory_space<hbm>>) target(%arg11 : memref<16xi32, #tpu.memory_space<vmem>>) target_semaphore(%run_scoped3A : memref<!tpu.dma_semaphore, #tpu.memory_space<semaphore_mem>>)
      tpu.wait_dma2 semaphore(%run_scoped3A : memref<!tpu.dma_semaphore, #tpu.memory_space<semaphore_mem>>) src(%arg5 : memref<16xi32, #tpu.memory_space<hbm>>) dst(%arg11 : memref<16xi32, #tpu.memory_space<vmem>>)
      tpu.yield
    }) : () -> ()
    "tpu.region"() ({
      %run_scoped3A = tpu.sem_alloc : memref<!tpu.dma_semaphore, #tpu.memory_space<semaphore_mem>>
      tpu.enqueue_dma source(%arg6 : memref<16xi32, #tpu.memory_space<hbm>>) target(%arg12 : memref<16xi32, #tpu.memory_space<vmem>>) target_semaphore(%run_scoped3A : memref<!tpu.dma_semaphore, #tpu.memory_space<semaphore_mem>>)
      tpu.wait_dma2 semaphore(%run_scoped3A : memref<!tpu.dma_semaphore, #tpu.memory_space<semaphore_mem>>) src(%arg6 : memref<16xi32, #tpu.memory_space<hbm>>) dst(%arg12 : memref<16xi32, #tpu.memory_space<vmem>>)
      tpu.yield
    }) : () -> ()
    "tpu.region"() ({
      %run_scoped3A = tpu.sem_alloc : memref<!tpu.dma_semaphore, #tpu.memory_space<semaphore_mem>>
      %dma_start3A_36 = tpu.memref_slice %arg3[%mul3A_2] : memref<32768xi32, #tpu.memory_space<hbm>> -> memref<1024xi32, #tpu.memory_space<hbm>>
      %dma_start3A_37 = tpu.memref_slice %arg3[%mul3A_2] : memref<32768xi32, #tpu.memory_space<hbm>> -> memref<1024xi32, #tpu.memory_space<hbm>>
      tpu.enqueue_dma source(%dma_start3A_37 : memref<1024xi32, #tpu.memory_space<hbm>>) target(%arg8 : memref<1024xi32, #tpu.memory_space<vmem>>) target_semaphore(%run_scoped3A : memref<!tpu.dma_semaphore, #tpu.memory_space<semaphore_mem>>)
      %dma_wait3A_38 = tpu.memref_slice %arg3[%mul3A_2] : memref<32768xi32, #tpu.memory_space<hbm>> -> memref<1024xi32, #tpu.memory_space<hbm>>
      %dma_wait3A_39 = tpu.memref_slice %arg3[%mul3A_2] : memref<32768xi32, #tpu.memory_space<hbm>> -> memref<1024xi32, #tpu.memory_space<hbm>>
      tpu.wait_dma2 semaphore(%run_scoped3A : memref<!tpu.dma_semaphore, #tpu.memory_space<semaphore_mem>>) src(%dma_wait3A_39 : memref<1024xi32, #tpu.memory_space<hbm>>) dst(%arg8 : memref<1024xi32, #tpu.memory_space<vmem>>)
      tpu.yield
    }) : () -> ()
    "tpu.region"() ({
      %run_scoped3A = tpu.sem_alloc : memref<!tpu.dma_semaphore, #tpu.memory_space<semaphore_mem>>
      %dma_start3A_36 = tpu.memref_slice %arg4[%mul3A_2] : memref<32768xi32, #tpu.memory_space<hbm>> -> memref<1024xi32, #tpu.memory_space<hbm>>
      %dma_start3A_37 = tpu.memref_slice %arg4[%mul3A_2] : memref<32768xi32, #tpu.memory_space<hbm>> -> memref<1024xi32, #tpu.memory_space<hbm>>
      tpu.enqueue_dma source(%dma_start3A_37 : memref<1024xi32, #tpu.memory_space<hbm>>) target(%arg9 : memref<1024xi32, #tpu.memory_space<vmem>>) target_semaphore(%run_scoped3A : memref<!tpu.dma_semaphore, #tpu.memory_space<semaphore_mem>>)
      %dma_wait3A_38 = tpu.memref_slice %arg4[%mul3A_2] : memref<32768xi32, #tpu.memory_space<hbm>> -> memref<1024xi32, #tpu.memory_space<hbm>>
      %dma_wait3A_39 = tpu.memref_slice %arg4[%mul3A_2] : memref<32768xi32, #tpu.memory_space<hbm>> -> memref<1024xi32, #tpu.memory_space<hbm>>
      tpu.wait_dma2 semaphore(%run_scoped3A : memref<!tpu.dma_semaphore, #tpu.memory_space<semaphore_mem>>) src(%dma_wait3A_39 : memref<1024xi32, #tpu.memory_space<hbm>>) dst(%arg9 : memref<1024xi32, #tpu.memory_space<vmem>>)
      tpu.yield
    }) : () -> ()
    %scan3A = arith.constant 0 : i32
    %scan3A_3 = arith.constant 8 : i32
    %scan3A_4 = arith.addi %scan3A, %scan3A_3 : i32
    %scan3A_5 = arith.constant 1 : i32
    scf.for %scan3A_36 = %scan3A to %scan3A_4 step %scan3A_5  : i32 {
      %mul3A_37 = arith.constant 1 : i32
      %mul3A_38 = arith.muli %scan3A_36, %mul3A_37 : i32
      %add3A_39 = arith.constant 0 : i32
      %add3A_40 = arith.addi %add3A_39, %mul3A_38 : i32
      %scan3A_41 = arith.constant 0 : i32
      %scan3A_42 = arith.constant 8 : i32
      %scan3A_43 = arith.addi %scan3A_41, %scan3A_42 : i32
      %scan3A_44 = arith.constant 1 : i32
      scf.for %scan3A_46 = %scan3A_41 to %scan3A_43 step %scan3A_44  : i32 {
        %mul3A_47 = arith.constant 16 : i32
        %mul3A_48 = arith.muli %scan3A_46, %mul3A_47 : i32
        %add3A_49 = arith.constant 0 : i32
        %add3A_50 = arith.addi %add3A_49, %mul3A_48 : i32
        %mul3A_51 = arith.constant 128 : i32
        %mul3A_52 = arith.muli %add3A_40, %mul3A_51 : i32
        %add3A_53 = arith.addi %mul3A_52, %add3A_50 : i32
        %get3A = arith.index_cast %add3A_53 : i32 to index
        %get3A_54 = tpu.vector_load %arg8[%get3A] {strides = array<i32>} : memref<1024xi32, #tpu.memory_space<vmem>>, vector<16xi32>,
        %get3A_55 = vector.shape_cast %get3A_54 : vector<16xi32> to vector<16xi32>
        %mul3A_56 = arith.constant 128 : i32
        %mul3A_57 = arith.muli %add3A_40, %mul3A_56 : i32
        %add3A_58 = arith.addi %mul3A_57, %add3A_50 : i32
        %get3A_59 = arith.index_cast %add3A_58 : i32 to index
        %get3A_60 = tpu.vector_load %arg9[%get3A_59] {strides = array<i32>} : memref<1024xi32, #tpu.memory_space<vmem>>, vector<16xi32>,
        %get3A_61 = vector.shape_cast %get3A_60 : vector<16xi32> to vector<16xi32>
        %broadcast_in_dim3A = arith.constant 0 : i32
        %broadcast_in_dim3A_62 = vector.broadcast %broadcast_in_dim3A : i32 to vector<16xi32>
        %eq3A = arith.constant 1 : i32
        %eq3A_63 = vector.broadcast %eq3A : i32 to vector<16xi32>
        %eq3A_64 = arith.cmpi eq, %get3A_55, %eq3A_63 : vector<16xi32>
        %get3A_65 = arith.constant 0 : index
        %get3A_66 = tpu.vector_load %arg11[%get3A_65] {strides = array<i32>} : memref<16xi32, #tpu.memory_space<vmem>>, vector<16xi32>,
        %get3A_67 = vector.shape_cast %get3A_66 : vector<16xi32> to vector<16xi32>
        %select_n3A = arith.select %eq3A_64, %get3A_67, %broadcast_in_dim3A_62 : vector<16xi1>, vector<16xi32>
        %add3A_68 = arith.addi %get3A_61, %select_n3A : vector<16xi32>
        %eq3A_69 = arith.constant 2 : i32
        %eq3A_70 = vector.broadcast %eq3A_69 : i32 to vector<16xi32>
        %eq3A_71 = arith.cmpi eq, %get3A_55, %eq3A_70 : vector<16xi32>
        %get3A_72 = arith.constant 0 : index
        %get3A_73 = tpu.vector_load %arg12[%get3A_72] {strides = array<i32>} : memref<16xi32, #tpu.memory_space<vmem>>, vector<16xi32>,
        %get3A_74 = vector.shape_cast %get3A_73 : vector<16xi32> to vector<16xi32>
        %select_n3A_75 = arith.select %eq3A_71, %get3A_74, %broadcast_in_dim3A_62 : vector<16xi1>, vector<16xi32>
        %add3A_76 = arith.addi %add3A_68, %select_n3A_75 : vector<16xi32>
        %swap3A = arith.constant 0 : i32
        %swap3A_77 = tpu.memref_slice %arg10[%add3A_40, %swap3A] : memref<8x128xi32, #tpu.memory_space<vmem>> -> memref<1x128xi32, #tpu.memory_space<vmem>>
        %swap3A_78 = tpu.memref_squeeze %swap3A_77 : memref<1x128xi32, #tpu.memory_space<vmem>> -> memref<128xi32, #tpu.memory_space<vmem>>
        %swap3A_79 = arith.index_cast %add3A_50 : i32 to index
        %swap3A_80 = tpu.vector_load %swap3A_78[%swap3A_79] {strides = array<i32>} : memref<128xi32, #tpu.memory_space<vmem>>, vector<16xi32>,
        %swap3A_81 = vector.shape_cast %swap3A_80 : vector<16xi32> to vector<16xi32>
        %swap3A_82 = vector.shape_cast %add3A_76 : vector<16xi32> to vector<16xi32>
        tpu.vector_store %swap3A_78[%swap3A_79], %swap3A_82 {strides = array<i32>} : memref<128xi32, #tpu.memory_space<vmem>>, vector<16xi32>,
      }
      %scan3A_45 = arith.constant 8 : i32
    }
    %scan3A_6 = arith.constant 8 : i32
    %add3A_7 = arith.constant 0 : i32
    %add3A_8 = arith.addi %mul3A_2, %add3A_7 : i32
    %dma_start3A = arith.constant 0 : i32
    %dma_start3A_9 = tpu.memref_slice %arg2[%add3A_8, %dma_start3A] : memref<32768x256xf32, #tpu.memory_space<hbm>> -> memref<128x256xf32, #tpu.memory_space<hbm>>
    %dma_start3A_10 = arith.constant 0 : i32
    %dma_start3A_11 = tpu.memref_slice %arg2[%add3A_8, %dma_start3A_10] : memref<32768x256xf32, #tpu.memory_space<hbm>> -> memref<128x256xf32, #tpu.memory_space<hbm>>
    tpu.enqueue_dma source(%dma_start3A_11 : memref<128x256xf32, #tpu.memory_space<hbm>>) target(%arg13 : memref<128x256xf32, #tpu.memory_space<vmem>>) target_semaphore(%arg15 : memref<!tpu.dma_semaphore, #tpu.memory_space<semaphore_mem>>)
    %add3A_12 = arith.constant 128 : i32
    %add3A_13 = arith.addi %mul3A_2, %add3A_12 : i32
    %dma_start3A_14 = arith.constant 0 : i32
    %dma_start3A_15 = tpu.memref_slice %arg2[%add3A_13, %dma_start3A_14] : memref<32768x256xf32, #tpu.memory_space<hbm>> -> memref<128x256xf32, #tpu.memory_space<hbm>>
    %dma_start3A_16 = arith.constant 0 : i32
    %dma_start3A_17 = tpu.memref_slice %arg2[%add3A_13, %dma_start3A_16] : memref<32768x256xf32, #tpu.memory_space<hbm>> -> memref<128x256xf32, #tpu.memory_space<hbm>>
    tpu.enqueue_dma source(%dma_start3A_17 : memref<128x256xf32, #tpu.memory_space<hbm>>) target(%arg14 : memref<128x256xf32, #tpu.memory_space<vmem>>) target_semaphore(%arg16 : memref<!tpu.dma_semaphore, #tpu.memory_space<semaphore_mem>>)
    %scan3A_18 = arith.constant 0 : i32
    %scan3A_19 = arith.constant 4 : i32
    %scan3A_20 = arith.addi %scan3A_18, %scan3A_19 : i32
    %scan3A_21 = arith.constant 1 : i32
    scf.for %scan3A_36 = %scan3A_18 to %scan3A_20 step %scan3A_21  : i32 {
      %mul3A_37 = arith.constant 2 : i32
      %mul3A_38 = arith.muli %scan3A_36, %mul3A_37 : i32
      %add3A_39 = arith.constant 0 : i32
      %add3A_40 = arith.addi %add3A_39, %mul3A_38 : i32
      %add3A_41 = arith.constant 0 : i32
      %add3A_42 = arith.addi %add3A_40, %add3A_41 : i32
      %mul3A_43 = arith.constant 128 : i32
      %mul3A_44 = arith.muli %add3A_42, %mul3A_43 : i32
      %add3A_45 = arith.addi %mul3A_2, %mul3A_44 : i32
      %dma_wait3A_46 = arith.constant 0 : i32
      %dma_wait3A_47 = tpu.memref_slice %arg2[%add3A_45, %dma_wait3A_46] : memref<32768x256xf32, #tpu.memory_space<hbm>> -> memref<128x256xf32, #tpu.memory_space<hbm>>
      %dma_wait3A_48 = arith.constant 0 : i32
      %dma_wait3A_49 = tpu.memref_slice %arg2[%add3A_45, %dma_wait3A_48] : memref<32768x256xf32, #tpu.memory_space<hbm>> -> memref<128x256xf32, #tpu.memory_space<hbm>>
      tpu.wait_dma2 semaphore(%arg15 : memref<!tpu.dma_semaphore, #tpu.memory_space<semaphore_mem>>) src(%dma_wait3A_49 : memref<128x256xf32, #tpu.memory_space<hbm>>) dst(%arg13 : memref<128x256xf32, #tpu.memory_space<vmem>>)
      %dma_start3A_50 = arith.constant 0 : i32
      %dma_start3A_51 = tpu.memref_slice %arg10[%add3A_42, %dma_start3A_50] : memref<8x128xi32, #tpu.memory_space<vmem>> -> memref<1x128xi32, #tpu.memory_space<vmem>>
      %dma_start3A_52 = tpu.memref_squeeze %dma_start3A_51 : memref<1x128xi32, #tpu.memory_space<vmem>> -> memref<128xi32, #tpu.memory_space<vmem>>
      %dma_start3A_53 = arith.constant 0 : i32
      %dma_start3A_54 = arith.constant 0 : i32
      %dma_start3A_55 = tpu.memref_slice %arg7[%dma_start3A_53, %dma_start3A_54] : memref<35840x256xf32, #tpu.memory_space<hbm>> -> memref<35840x256xf32, #tpu.memory_space<hbm>>
      tpu.enqueue_indirect_dma source(%arg13 : memref<128x256xf32, #tpu.memory_space<vmem>>) target(%dma_start3A_55 : memref<35840x256xf32, #tpu.memory_space<hbm>>) offsets(%dma_start3A_52 : memref<128xi32, #tpu.memory_space<vmem>>) semaphore(%arg17 : memref<!tpu.dma_semaphore, #tpu.memory_space<semaphore_mem>>)
      %add3A_56 = arith.constant 2 : i32
      %add3A_57 = arith.addi %add3A_42, %add3A_56 : i32
      %lt3A = arith.constant 8 : i32
      %lt3A_58 = arith.cmpi slt, %add3A_57, %lt3A : i32
      %convert_element_type3A = arith.extui %lt3A_58 : i1 to i32
      %cond3A = arith.constant 0 : i32
      %cond3A_59 = arith.cmpi ne, %convert_element_type3A, %cond3A : i32
      scf.if %cond3A_59 {
        %dma_wait3A_82 = arith.constant 0 : i32
        %dma_wait3A_83 = tpu.memref_slice %arg10[%add3A_42, %dma_wait3A_82] : memref<8x128xi32, #tpu.memory_space<vmem>> -> memref<1x128xi32, #tpu.memory_space<vmem>>
        %dma_wait3A_84 = tpu.memref_squeeze %dma_wait3A_83 : memref<1x128xi32, #tpu.memory_space<vmem>> -> memref<128xi32, #tpu.memory_space<vmem>>
        %dma_wait3A_85 = arith.constant 0 : i32
        %dma_wait3A_86 = arith.constant 0 : i32
        %dma_wait3A_87 = tpu.memref_slice %arg7[%dma_wait3A_85, %dma_wait3A_86] : memref<35840x256xf32, #tpu.memory_space<hbm>> -> memref<35840x256xf32, #tpu.memory_space<hbm>>
        tpu.wait_indirect_dma semaphore(%arg17 : memref<!tpu.dma_semaphore, #tpu.memory_space<semaphore_mem>>) src(%arg13 : memref<128x256xf32, #tpu.memory_space<vmem>>) dst(%dma_wait3A_87 : memref<35840x256xf32, #tpu.memory_space<hbm>>)
        %add3A_88 = arith.constant 2 : i32
        %add3A_89 = arith.addi %add3A_42, %add3A_88 : i32
        %mul3A_90 = arith.constant 128 : i32
        %mul3A_91 = arith.muli %add3A_89, %mul3A_90 : i32
        %add3A_92 = arith.addi %mul3A_2, %mul3A_91 : i32
        %dma_start3A_93 = arith.constant 0 : i32
        %dma_start3A_94 = tpu.memref_slice %arg2[%add3A_92, %dma_start3A_93] : memref<32768x256xf32, #tpu.memory_space<hbm>> -> memref<128x256xf32, #tpu.memory_space<hbm>>
        %dma_start3A_95 = arith.constant 0 : i32
        %dma_start3A_96 = tpu.memref_slice %arg2[%add3A_92, %dma_start3A_95] : memref<32768x256xf32, #tpu.memory_space<hbm>> -> memref<128x256xf32, #tpu.memory_space<hbm>>
        tpu.enqueue_dma source(%dma_start3A_96 : memref<128x256xf32, #tpu.memory_space<hbm>>) target(%arg13 : memref<128x256xf32, #tpu.memory_space<vmem>>) target_semaphore(%arg15 : memref<!tpu.dma_semaphore, #tpu.memory_space<semaphore_mem>>)
      } else {
      }
      %add3A_60 = arith.constant 1 : i32
      %add3A_61 = arith.addi %add3A_40, %add3A_60 : i32
      %mul3A_62 = arith.constant 128 : i32
      %mul3A_63 = arith.muli %add3A_61, %mul3A_62 : i32
      %add3A_64 = arith.addi %mul3A_2, %mul3A_63 : i32
      %dma_wait3A_65 = arith.constant 0 : i32
      %dma_wait3A_66 = tpu.memref_slice %arg2[%add3A_64, %dma_wait3A_65] : memref<32768x256xf32, #tpu.memory_space<hbm>> -> memref<128x256xf32, #tpu.memory_space<hbm>>
      %dma_wait3A_67 = arith.constant 0 : i32
      %dma_wait3A_68 = tpu.memref_slice %arg2[%add3A_64, %dma_wait3A_67] : memref<32768x256xf32, #tpu.memory_space<hbm>> -> memref<128x256xf32, #tpu.memory_space<hbm>>
      tpu.wait_dma2 semaphore(%arg16 : memref<!tpu.dma_semaphore, #tpu.memory_space<semaphore_mem>>) src(%dma_wait3A_68 : memref<128x256xf32, #tpu.memory_space<hbm>>) dst(%arg14 : memref<128x256xf32, #tpu.memory_space<vmem>>)
      %dma_start3A_69 = arith.constant 0 : i32
      %dma_start3A_70 = tpu.memref_slice %arg10[%add3A_61, %dma_start3A_69] : memref<8x128xi32, #tpu.memory_space<vmem>> -> memref<1x128xi32, #tpu.memory_space<vmem>>
      %dma_start3A_71 = tpu.memref_squeeze %dma_start3A_70 : memref<1x128xi32, #tpu.memory_space<vmem>> -> memref<128xi32, #tpu.memory_space<vmem>>
      %dma_start3A_72 = arith.constant 0 : i32
      %dma_start3A_73 = arith.constant 0 : i32
      %dma_start3A_74 = tpu.memref_slice %arg7[%dma_start3A_72, %dma_start3A_73] : memref<35840x256xf32, #tpu.memory_space<hbm>> -> memref<35840x256xf32, #tpu.memory_space<hbm>>
      tpu.enqueue_indirect_dma source(%arg14 : memref<128x256xf32, #tpu.memory_space<vmem>>) target(%dma_start3A_74 : memref<35840x256xf32, #tpu.memory_space<hbm>>) offsets(%dma_start3A_71 : memref<128xi32, #tpu.memory_space<vmem>>) semaphore(%arg18 : memref<!tpu.dma_semaphore, #tpu.memory_space<semaphore_mem>>)
      %add3A_75 = arith.constant 2 : i32
      %add3A_76 = arith.addi %add3A_61, %add3A_75 : i32
      %lt3A_77 = arith.constant 8 : i32
      %lt3A_78 = arith.cmpi slt, %add3A_76, %lt3A_77 : i32
      %convert_element_type3A_79 = arith.extui %lt3A_78 : i1 to i32
      %cond3A_80 = arith.constant 0 : i32
      %cond3A_81 = arith.cmpi ne, %convert_element_type3A_79, %cond3A_80 : i32
      scf.if %cond3A_81 {
        %dma_wait3A_82 = arith.constant 0 : i32
        %dma_wait3A_83 = tpu.memref_slice %arg10[%add3A_61, %dma_wait3A_82] : memref<8x128xi32, #tpu.memory_space<vmem>> -> memref<1x128xi32, #tpu.memory_space<vmem>>
        %dma_wait3A_84 = tpu.memref_squeeze %dma_wait3A_83 : memref<1x128xi32, #tpu.memory_space<vmem>> -> memref<128xi32, #tpu.memory_space<vmem>>
        %dma_wait3A_85 = arith.constant 0 : i32
        %dma_wait3A_86 = arith.constant 0 : i32
        %dma_wait3A_87 = tpu.memref_slice %arg7[%dma_wait3A_85, %dma_wait3A_86] : memref<35840x256xf32, #tpu.memory_space<hbm>> -> memref<35840x256xf32, #tpu.memory_space<hbm>>
        tpu.wait_indirect_dma semaphore(%arg18 : memref<!tpu.dma_semaphore, #tpu.memory_space<semaphore_mem>>) src(%arg14 : memref<128x256xf32, #tpu.memory_space<vmem>>) dst(%dma_wait3A_87 : memref<35840x256xf32, #tpu.memory_space<hbm>>)
        %add3A_88 = arith.constant 2 : i32
        %add3A_89 = arith.addi %add3A_61, %add3A_88 : i32
        %mul3A_90 = arith.constant 128 : i32
        %mul3A_91 = arith.muli %add3A_89, %mul3A_90 : i32
        %add3A_92 = arith.addi %mul3A_2, %mul3A_91 : i32
        %dma_start3A_93 = arith.constant 0 : i32
        %dma_start3A_94 = tpu.memref_slice %arg2[%add3A_92, %dma_start3A_93] : memref<32768x256xf32, #tpu.memory_space<hbm>> -> memref<128x256xf32, #tpu.memory_space<hbm>>
        %dma_start3A_95 = arith.constant 0 : i32
        %dma_start3A_96 = tpu.memref_slice %arg2[%add3A_92, %dma_start3A_95] : memref<32768x256xf32, #tpu.memory_space<hbm>> -> memref<128x256xf32, #tpu.memory_space<hbm>>
        tpu.enqueue_dma source(%dma_start3A_96 : memref<128x256xf32, #tpu.memory_space<hbm>>) target(%arg14 : memref<128x256xf32, #tpu.memory_space<vmem>>) target_semaphore(%arg16 : memref<!tpu.dma_semaphore, #tpu.memory_space<semaphore_mem>>)
      } else {
      }
    }
    %scan3A_22 = arith.constant 4 : i32
    %dma_wait3A = arith.constant 6 : i32
    %dma_wait3A_23 = arith.constant 0 : i32
    %dma_wait3A_24 = tpu.memref_slice %arg10[%dma_wait3A, %dma_wait3A_23] : memref<8x128xi32, #tpu.memory_space<vmem>> -> memref<1x128xi32, #tpu.memory_space<vmem>>
    %dma_wait3A_25 = tpu.memref_squeeze %dma_wait3A_24 : memref<1x128xi32, #tpu.memory_space<vmem>> -> memref<128xi32, #tpu.memory_space<vmem>>
    %dma_wait3A_26 = arith.constant 0 : i32
    %dma_wait3A_27 = arith.constant 0 : i32
    %dma_wait3A_28 = tpu.memref_slice %arg7[%dma_wait3A_26, %dma_wait3A_27] : memref<35840x256xf32, #tpu.memory_space<hbm>> -> memref<35840x256xf32, #tpu.memory_space<hbm>>
    tpu.wait_indirect_dma semaphore(%arg17 : memref<!tpu.dma_semaphore, #tpu.memory_space<semaphore_mem>>) src(%arg13 : memref<128x256xf32, #tpu.memory_space<vmem>>) dst(%dma_wait3A_28 : memref<35840x256xf32, #tpu.memory_space<hbm>>)
    %dma_wait3A_29 = arith.constant 7 : i32
    %dma_wait3A_30 = arith.constant 0 : i32
    %dma_wait3A_31 = tpu.memref_slice %arg10[%dma_wait3A_29, %dma_wait3A_30] : memref<8x128xi32, #tpu.memory_space<vmem>> -> memref<1x128xi32, #tpu.memory_space<vmem>>
    %dma_wait3A_32 = tpu.memref_squeeze %dma_wait3A_31 : memref<1x128xi32, #tpu.memory_space<vmem>> -> memref<128xi32, #tpu.memory_space<vmem>>
    %dma_wait3A_33 = arith.constant 0 : i32
    %dma_wait3A_34 = arith.constant 0 : i32
    %dma_wait3A_35 = tpu.memref_slice %arg7[%dma_wait3A_33, %dma_wait3A_34] : memref<35840x256xf32, #tpu.memory_space<hbm>> -> memref<35840x256xf32, #tpu.memory_space<hbm>>
    tpu.wait_indirect_dma semaphore(%arg18 : memref<!tpu.dma_semaphore, #tpu.memory_space<semaphore_mem>>) src(%arg14 : memref<128x256xf32, #tpu.memory_space<vmem>>) dst(%dma_wait3A_35 : memref<35840x256xf32, #tpu.memory_space<hbm>>)
    return
  }
}

#map = affine_map<(d0, d1) -> (0, 0)>
#map1 = affine_map<(d0, d1) -> (0)>
module attributes {stable_mosaic.version = 14 : i64} {
  func.func @k(%arg0: i32, %arg1: i32, %arg2: memref<35840x256xf32, #tpu.memory_space<hbm>>, %arg3: memref<32768xi32, #tpu.memory_space<hbm>>, %arg4: memref<32768xi32, #tpu.memory_space<hbm>>, %arg5: memref<16xi32, #tpu.memory_space<hbm>>, %arg6: memref<16xi32, #tpu.memory_space<hbm>>, %arg7: memref<32768x256xf32, #tpu.memory_space<hbm>>, %arg8: memref<1024xi32, #tpu.memory_space<vmem>>, %arg9: memref<1024xi32, #tpu.memory_space<vmem>>, %arg10: memref<8x128xi32, #tpu.memory_space<vmem>>, %arg11: memref<16xi32, #tpu.memory_space<vmem>>, %arg12: memref<16xi32, #tpu.memory_space<vmem>>, %arg13: memref<128x256xf32, #tpu.memory_space<vmem>>, %arg14: memref<128x256xf32, #tpu.memory_space<vmem>>, %arg15: memref<!tpu.dma_semaphore, #tpu.memory_space<semaphore_mem>>, %arg16: memref<!tpu.dma_semaphore, #tpu.memory_space<semaphore_mem>>, %arg17: memref<!tpu.dma_semaphore, #tpu.memory_space<semaphore_mem>>, %arg18: memref<!tpu.dma_semaphore, #tpu.memory_space<semaphore_mem>>) attributes {dimension_semantics = [#tpu.dimension_semantics<core_parallel>, #tpu.dimension_semantics<subcore_parallel>], iteration_bounds = array<i64: 2, 16>, scalar_prefetch = 0 : i64, scratch_operands = 11 : i64, tpu.core_type = #tpu.core_type<sc_vector_subcore>, window_params = [{transform_indices = #map}, {transform_indices = #map1}, {transform_indices = #map1}, {transform_indices = #map1}, {transform_indices = #map1}, {transform_indices = #map}]} {
    %mul3A = arith.constant 2 : i32
    %mul3A_0 = arith.muli %arg1, %mul3A : i32
    %add3A = arith.addi %mul3A_0, %arg0 : i32
    %mul3A_1 = arith.constant 1024 : i32
    %mul3A_2 = arith.muli %add3A, %mul3A_1 : i32
    "tpu.region"() ({
      %run_scoped3A = tpu.sem_alloc : memref<!tpu.dma_semaphore, #tpu.memory_space<semaphore_mem>>
      tpu.enqueue_dma source(%arg5 : memref<16xi32, #tpu.memory_space<hbm>>) target(%arg11 : memref<16xi32, #tpu.memory_space<vmem>>) target_semaphore(%run_scoped3A : memref<!tpu.dma_semaphore, #tpu.memory_space<semaphore_mem>>)
      tpu.wait_dma2 semaphore(%run_scoped3A : memref<!tpu.dma_semaphore, #tpu.memory_space<semaphore_mem>>) src(%arg5 : memref<16xi32, #tpu.memory_space<hbm>>) dst(%arg11 : memref<16xi32, #tpu.memory_space<vmem>>)
      tpu.yield
    }) : () -> ()
    "tpu.region"() ({
      %run_scoped3A = tpu.sem_alloc : memref<!tpu.dma_semaphore, #tpu.memory_space<semaphore_mem>>
      tpu.enqueue_dma source(%arg6 : memref<16xi32, #tpu.memory_space<hbm>>) target(%arg12 : memref<16xi32, #tpu.memory_space<vmem>>) target_semaphore(%run_scoped3A : memref<!tpu.dma_semaphore, #tpu.memory_space<semaphore_mem>>)
      tpu.wait_dma2 semaphore(%run_scoped3A : memref<!tpu.dma_semaphore, #tpu.memory_space<semaphore_mem>>) src(%arg6 : memref<16xi32, #tpu.memory_space<hbm>>) dst(%arg12 : memref<16xi32, #tpu.memory_space<vmem>>)
      tpu.yield
    }) : () -> ()
    "tpu.region"() ({
      %run_scoped3A = tpu.sem_alloc : memref<!tpu.dma_semaphore, #tpu.memory_space<semaphore_mem>>
      %dma_start3A_36 = tpu.memref_slice %arg3[%mul3A_2] : memref<32768xi32, #tpu.memory_space<hbm>> -> memref<1024xi32, #tpu.memory_space<hbm>>
      %dma_start3A_37 = tpu.memref_slice %arg3[%mul3A_2] : memref<32768xi32, #tpu.memory_space<hbm>> -> memref<1024xi32, #tpu.memory_space<hbm>>
      tpu.enqueue_dma source(%dma_start3A_37 : memref<1024xi32, #tpu.memory_space<hbm>>) target(%arg8 : memref<1024xi32, #tpu.memory_space<vmem>>) target_semaphore(%run_scoped3A : memref<!tpu.dma_semaphore, #tpu.memory_space<semaphore_mem>>)
      %dma_wait3A_38 = tpu.memref_slice %arg3[%mul3A_2] : memref<32768xi32, #tpu.memory_space<hbm>> -> memref<1024xi32, #tpu.memory_space<hbm>>
      %dma_wait3A_39 = tpu.memref_slice %arg3[%mul3A_2] : memref<32768xi32, #tpu.memory_space<hbm>> -> memref<1024xi32, #tpu.memory_space<hbm>>
      tpu.wait_dma2 semaphore(%run_scoped3A : memref<!tpu.dma_semaphore, #tpu.memory_space<semaphore_mem>>) src(%dma_wait3A_39 : memref<1024xi32, #tpu.memory_space<hbm>>) dst(%arg8 : memref<1024xi32, #tpu.memory_space<vmem>>)
      tpu.yield
    }) : () -> ()
    "tpu.region"() ({
      %run_scoped3A = tpu.sem_alloc : memref<!tpu.dma_semaphore, #tpu.memory_space<semaphore_mem>>
      %dma_start3A_36 = tpu.memref_slice %arg4[%mul3A_2] : memref<32768xi32, #tpu.memory_space<hbm>> -> memref<1024xi32, #tpu.memory_space<hbm>>
      %dma_start3A_37 = tpu.memref_slice %arg4[%mul3A_2] : memref<32768xi32, #tpu.memory_space<hbm>> -> memref<1024xi32, #tpu.memory_space<hbm>>
      tpu.enqueue_dma source(%dma_start3A_37 : memref<1024xi32, #tpu.memory_space<hbm>>) target(%arg9 : memref<1024xi32, #tpu.memory_space<vmem>>) target_semaphore(%run_scoped3A : memref<!tpu.dma_semaphore, #tpu.memory_space<semaphore_mem>>)
      %dma_wait3A_38 = tpu.memref_slice %arg4[%mul3A_2] : memref<32768xi32, #tpu.memory_space<hbm>> -> memref<1024xi32, #tpu.memory_space<hbm>>
      %dma_wait3A_39 = tpu.memref_slice %arg4[%mul3A_2] : memref<32768xi32, #tpu.memory_space<hbm>> -> memref<1024xi32, #tpu.memory_space<hbm>>
      tpu.wait_dma2 semaphore(%run_scoped3A : memref<!tpu.dma_semaphore, #tpu.memory_space<semaphore_mem>>) src(%dma_wait3A_39 : memref<1024xi32, #tpu.memory_space<hbm>>) dst(%arg9 : memref<1024xi32, #tpu.memory_space<vmem>>)
      tpu.yield
    }) : () -> ()
    %scan3A = arith.constant 0 : i32
    %scan3A_3 = arith.constant 8 : i32
    %scan3A_4 = arith.addi %scan3A, %scan3A_3 : i32
    %scan3A_5 = arith.constant 1 : i32
    scf.for %scan3A_36 = %scan3A to %scan3A_4 step %scan3A_5  : i32 {
      %mul3A_37 = arith.constant 1 : i32
      %mul3A_38 = arith.muli %scan3A_36, %mul3A_37 : i32
      %add3A_39 = arith.constant 0 : i32
      %add3A_40 = arith.addi %add3A_39, %mul3A_38 : i32
      %scan3A_41 = arith.constant 0 : i32
      %scan3A_42 = arith.constant 8 : i32
      %scan3A_43 = arith.addi %scan3A_41, %scan3A_42 : i32
      %scan3A_44 = arith.constant 1 : i32
      scf.for %scan3A_46 = %scan3A_41 to %scan3A_43 step %scan3A_44  : i32 {
        %mul3A_47 = arith.constant 16 : i32
        %mul3A_48 = arith.muli %scan3A_46, %mul3A_47 : i32
        %add3A_49 = arith.constant 0 : i32
        %add3A_50 = arith.addi %add3A_49, %mul3A_48 : i32
        %mul3A_51 = arith.constant 128 : i32
        %mul3A_52 = arith.muli %add3A_40, %mul3A_51 : i32
        %add3A_53 = arith.addi %mul3A_52, %add3A_50 : i32
        %get3A = arith.index_cast %add3A_53 : i32 to index
        %get3A_54 = tpu.vector_load %arg8[%get3A] {strides = array<i32>} : memref<1024xi32, #tpu.memory_space<vmem>>, vector<16xi32>,
        %get3A_55 = vector.shape_cast %get3A_54 : vector<16xi32> to vector<16xi32>
        %mul3A_56 = arith.constant 128 : i32
        %mul3A_57 = arith.muli %add3A_40, %mul3A_56 : i32
        %add3A_58 = arith.addi %mul3A_57, %add3A_50 : i32
        %get3A_59 = arith.index_cast %add3A_58 : i32 to index
        %get3A_60 = tpu.vector_load %arg9[%get3A_59] {strides = array<i32>} : memref<1024xi32, #tpu.memory_space<vmem>>, vector<16xi32>,
        %get3A_61 = vector.shape_cast %get3A_60 : vector<16xi32> to vector<16xi32>
        %broadcast_in_dim3A = arith.constant 0 : i32
        %broadcast_in_dim3A_62 = vector.broadcast %broadcast_in_dim3A : i32 to vector<16xi32>
        %eq3A = arith.constant 1 : i32
        %eq3A_63 = vector.broadcast %eq3A : i32 to vector<16xi32>
        %eq3A_64 = arith.cmpi eq, %get3A_55, %eq3A_63 : vector<16xi32>
        %get3A_65 = arith.constant 0 : index
        %get3A_66 = tpu.vector_load %arg11[%get3A_65] {strides = array<i32>} : memref<16xi32, #tpu.memory_space<vmem>>, vector<16xi32>,
        %get3A_67 = vector.shape_cast %get3A_66 : vector<16xi32> to vector<16xi32>
        %select_n3A = arith.select %eq3A_64, %get3A_67, %broadcast_in_dim3A_62 : vector<16xi1>, vector<16xi32>
        %add3A_68 = arith.addi %get3A_61, %select_n3A : vector<16xi32>
        %eq3A_69 = arith.constant 2 : i32
        %eq3A_70 = vector.broadcast %eq3A_69 : i32 to vector<16xi32>
        %eq3A_71 = arith.cmpi eq, %get3A_55, %eq3A_70 : vector<16xi32>
        %get3A_72 = arith.constant 0 : index
        %get3A_73 = tpu.vector_load %arg12[%get3A_72] {strides = array<i32>} : memref<16xi32, #tpu.memory_space<vmem>>, vector<16xi32>,
        %get3A_74 = vector.shape_cast %get3A_73 : vector<16xi32> to vector<16xi32>
        %select_n3A_75 = arith.select %eq3A_71, %get3A_74, %broadcast_in_dim3A_62 : vector<16xi1>, vector<16xi32>
        %add3A_76 = arith.addi %add3A_68, %select_n3A_75 : vector<16xi32>
        %swap3A = arith.constant 0 : i32
        %swap3A_77 = tpu.memref_slice %arg10[%add3A_40, %swap3A] : memref<8x128xi32, #tpu.memory_space<vmem>> -> memref<1x128xi32, #tpu.memory_space<vmem>>
        %swap3A_78 = tpu.memref_squeeze %swap3A_77 : memref<1x128xi32, #tpu.memory_space<vmem>> -> memref<128xi32, #tpu.memory_space<vmem>>
        %swap3A_79 = arith.index_cast %add3A_50 : i32 to index
        %swap3A_80 = tpu.vector_load %swap3A_78[%swap3A_79] {strides = array<i32>} : memref<128xi32, #tpu.memory_space<vmem>>, vector<16xi32>,
        %swap3A_81 = vector.shape_cast %swap3A_80 : vector<16xi32> to vector<16xi32>
        %swap3A_82 = vector.shape_cast %add3A_76 : vector<16xi32> to vector<16xi32>
        tpu.vector_store %swap3A_78[%swap3A_79], %swap3A_82 {strides = array<i32>} : memref<128xi32, #tpu.memory_space<vmem>>, vector<16xi32>,
      }
      %scan3A_45 = arith.constant 8 : i32
    }
    %scan3A_6 = arith.constant 8 : i32
    %dma_start3A = arith.constant 0 : i32
    %dma_start3A_7 = arith.constant 0 : i32
    %dma_start3A_8 = tpu.memref_slice %arg10[%dma_start3A, %dma_start3A_7] : memref<8x128xi32, #tpu.memory_space<vmem>> -> memref<1x128xi32, #tpu.memory_space<vmem>>
    %dma_start3A_9 = tpu.memref_squeeze %dma_start3A_8 : memref<1x128xi32, #tpu.memory_space<vmem>> -> memref<128xi32, #tpu.memory_space<vmem>>
    %dma_start3A_10 = arith.constant 0 : i32
    %dma_start3A_11 = arith.constant 0 : i32
    %dma_start3A_12 = tpu.memref_slice %arg2[%dma_start3A_10, %dma_start3A_11] : memref<35840x256xf32, #tpu.memory_space<hbm>> -> memref<35840x256xf32, #tpu.memory_space<hbm>>
    tpu.enqueue_indirect_dma source(%dma_start3A_12 : memref<35840x256xf32, #tpu.memory_space<hbm>>) target(%arg13 : memref<128x256xf32, #tpu.memory_space<vmem>>) offsets(%dma_start3A_9 : memref<128xi32, #tpu.memory_space<vmem>>) semaphore(%arg15 : memref<!tpu.dma_semaphore, #tpu.memory_space<semaphore_mem>>)
    %dma_start3A_13 = arith.constant 1 : i32
    %dma_start3A_14 = arith.constant 0 : i32
    %dma_start3A_15 = tpu.memref_slice %arg10[%dma_start3A_13, %dma_start3A_14] : memref<8x128xi32, #tpu.memory_space<vmem>> -> memref<1x128xi32, #tpu.memory_space<vmem>>
    %dma_start3A_16 = tpu.memref_squeeze %dma_start3A_15 : memref<1x128xi32, #tpu.memory_space<vmem>> -> memref<128xi32, #tpu.memory_space<vmem>>
    %dma_start3A_17 = arith.constant 0 : i32
    %dma_start3A_18 = arith.constant 0 : i32
    %dma_start3A_19 = tpu.memref_slice %arg2[%dma_start3A_17, %dma_start3A_18] : memref<35840x256xf32, #tpu.memory_space<hbm>> -> memref<35840x256xf32, #tpu.memory_space<hbm>>
    tpu.enqueue_indirect_dma source(%dma_start3A_19 : memref<35840x256xf32, #tpu.memory_space<hbm>>) target(%arg14 : memref<128x256xf32, #tpu.memory_space<vmem>>) offsets(%dma_start3A_16 : memref<128xi32, #tpu.memory_space<vmem>>) semaphore(%arg16 : memref<!tpu.dma_semaphore, #tpu.memory_space<semaphore_mem>>)
    %scan3A_20 = arith.constant 0 : i32
    %scan3A_21 = arith.constant 4 : i32
    %scan3A_22 = arith.addi %scan3A_20, %scan3A_21 : i32
    %scan3A_23 = arith.constant 1 : i32
    scf.for %scan3A_36 = %scan3A_20 to %scan3A_22 step %scan3A_23  : i32 {
      %mul3A_37 = arith.constant 2 : i32
      %mul3A_38 = arith.muli %scan3A_36, %mul3A_37 : i32
      %add3A_39 = arith.constant 0 : i32
      %add3A_40 = arith.addi %add3A_39, %mul3A_38 : i32
      %add3A_41 = arith.constant 0 : i32
      %add3A_42 = arith.addi %add3A_40, %add3A_41 : i32
      %dma_wait3A_43 = arith.constant 0 : i32
      %dma_wait3A_44 = tpu.memref_slice %arg10[%add3A_42, %dma_wait3A_43] : memref<8x128xi32, #tpu.memory_space<vmem>> -> memref<1x128xi32, #tpu.memory_space<vmem>>
      %dma_wait3A_45 = tpu.memref_squeeze %dma_wait3A_44 : memref<1x128xi32, #tpu.memory_space<vmem>> -> memref<128xi32, #tpu.memory_space<vmem>>
      %dma_wait3A_46 = arith.constant 0 : i32
      %dma_wait3A_47 = arith.constant 0 : i32
      %dma_wait3A_48 = tpu.memref_slice %arg2[%dma_wait3A_46, %dma_wait3A_47] : memref<35840x256xf32, #tpu.memory_space<hbm>> -> memref<35840x256xf32, #tpu.memory_space<hbm>>
      tpu.wait_indirect_dma semaphore(%arg15 : memref<!tpu.dma_semaphore, #tpu.memory_space<semaphore_mem>>) src(%dma_wait3A_48 : memref<35840x256xf32, #tpu.memory_space<hbm>>) dst(%arg13 : memref<128x256xf32, #tpu.memory_space<vmem>>)
      %mul3A_49 = arith.constant 128 : i32
      %mul3A_50 = arith.muli %add3A_42, %mul3A_49 : i32
      %add3A_51 = arith.addi %mul3A_2, %mul3A_50 : i32
      %dma_start3A_52 = arith.constant 0 : i32
      %dma_start3A_53 = tpu.memref_slice %arg7[%add3A_51, %dma_start3A_52] : memref<32768x256xf32, #tpu.memory_space<hbm>> -> memref<128x256xf32, #tpu.memory_space<hbm>>
      %dma_start3A_54 = arith.constant 0 : i32
      %dma_start3A_55 = tpu.memref_slice %arg7[%add3A_51, %dma_start3A_54] : memref<32768x256xf32, #tpu.memory_space<hbm>> -> memref<128x256xf32, #tpu.memory_space<hbm>>
      tpu.enqueue_dma source(%arg13 : memref<128x256xf32, #tpu.memory_space<vmem>>) target(%dma_start3A_55 : memref<128x256xf32, #tpu.memory_space<hbm>>) target_semaphore(%arg17 : memref<!tpu.dma_semaphore, #tpu.memory_space<semaphore_mem>>)
      %add3A_56 = arith.constant 2 : i32
      %add3A_57 = arith.addi %add3A_42, %add3A_56 : i32
      %lt3A = arith.constant 8 : i32
      %lt3A_58 = arith.cmpi slt, %add3A_57, %lt3A : i32
      %convert_element_type3A = arith.extui %lt3A_58 : i1 to i32
      %cond3A = arith.constant 0 : i32
      %cond3A_59 = arith.cmpi ne, %convert_element_type3A, %cond3A : i32
      scf.if %cond3A_59 {
        %mul3A_82 = arith.constant 128 : i32
        %mul3A_83 = arith.muli %add3A_42, %mul3A_82 : i32
        %add3A_84 = arith.addi %mul3A_2, %mul3A_83 : i32
        %dma_wait3A_85 = arith.constant 0 : i32
        %dma_wait3A_86 = tpu.memref_slice %arg7[%add3A_84, %dma_wait3A_85] : memref<32768x256xf32, #tpu.memory_space<hbm>> -> memref<128x256xf32, #tpu.memory_space<hbm>>
        %dma_wait3A_87 = arith.constant 0 : i32
        %dma_wait3A_88 = tpu.memref_slice %arg7[%add3A_84, %dma_wait3A_87] : memref<32768x256xf32, #tpu.memory_space<hbm>> -> memref<128x256xf32, #tpu.memory_space<hbm>>
        tpu.wait_dma2 semaphore(%arg17 : memref<!tpu.dma_semaphore, #tpu.memory_space<semaphore_mem>>) src(%arg13 : memref<128x256xf32, #tpu.memory_space<vmem>>) dst(%dma_wait3A_88 : memref<128x256xf32, #tpu.memory_space<hbm>>)
        %add3A_89 = arith.constant 2 : i32
        %add3A_90 = arith.addi %add3A_42, %add3A_89 : i32
        %dma_start3A_91 = arith.constant 0 : i32
        %dma_start3A_92 = tpu.memref_slice %arg10[%add3A_90, %dma_start3A_91] : memref<8x128xi32, #tpu.memory_space<vmem>> -> memref<1x128xi32, #tpu.memory_space<vmem>>
        %dma_start3A_93 = tpu.memref_squeeze %dma_start3A_92 : memref<1x128xi32, #tpu.memory_space<vmem>> -> memref<128xi32, #tpu.memory_space<vmem>>
        %dma_start3A_94 = arith.constant 0 : i32
        %dma_start3A_95 = arith.constant 0 : i32
        %dma_start3A_96 = tpu.memref_slice %arg2[%dma_start3A_94, %dma_start3A_95] : memref<35840x256xf32, #tpu.memory_space<hbm>> -> memref<35840x256xf32, #tpu.memory_space<hbm>>
        tpu.enqueue_indirect_dma source(%dma_start3A_96 : memref<35840x256xf32, #tpu.memory_space<hbm>>) target(%arg13 : memref<128x256xf32, #tpu.memory_space<vmem>>) offsets(%dma_start3A_93 : memref<128xi32, #tpu.memory_space<vmem>>) semaphore(%arg15 : memref<!tpu.dma_semaphore, #tpu.memory_space<semaphore_mem>>)
      } else {
      }
      %add3A_60 = arith.constant 1 : i32
      %add3A_61 = arith.addi %add3A_40, %add3A_60 : i32
      %dma_wait3A_62 = arith.constant 0 : i32
      %dma_wait3A_63 = tpu.memref_slice %arg10[%add3A_61, %dma_wait3A_62] : memref<8x128xi32, #tpu.memory_space<vmem>> -> memref<1x128xi32, #tpu.memory_space<vmem>>
      %dma_wait3A_64 = tpu.memref_squeeze %dma_wait3A_63 : memref<1x128xi32, #tpu.memory_space<vmem>> -> memref<128xi32, #tpu.memory_space<vmem>>
      %dma_wait3A_65 = arith.constant 0 : i32
      %dma_wait3A_66 = arith.constant 0 : i32
      %dma_wait3A_67 = tpu.memref_slice %arg2[%dma_wait3A_65, %dma_wait3A_66] : memref<35840x256xf32, #tpu.memory_space<hbm>> -> memref<35840x256xf32, #tpu.memory_space<hbm>>
      tpu.wait_indirect_dma semaphore(%arg16 : memref<!tpu.dma_semaphore, #tpu.memory_space<semaphore_mem>>) src(%dma_wait3A_67 : memref<35840x256xf32, #tpu.memory_space<hbm>>) dst(%arg14 : memref<128x256xf32, #tpu.memory_space<vmem>>)
      %mul3A_68 = arith.constant 128 : i32
      %mul3A_69 = arith.muli %add3A_61, %mul3A_68 : i32
      %add3A_70 = arith.addi %mul3A_2, %mul3A_69 : i32
      %dma_start3A_71 = arith.constant 0 : i32
      %dma_start3A_72 = tpu.memref_slice %arg7[%add3A_70, %dma_start3A_71] : memref<32768x256xf32, #tpu.memory_space<hbm>> -> memref<128x256xf32, #tpu.memory_space<hbm>>
      %dma_start3A_73 = arith.constant 0 : i32
      %dma_start3A_74 = tpu.memref_slice %arg7[%add3A_70, %dma_start3A_73] : memref<32768x256xf32, #tpu.memory_space<hbm>> -> memref<128x256xf32, #tpu.memory_space<hbm>>
      tpu.enqueue_dma source(%arg14 : memref<128x256xf32, #tpu.memory_space<vmem>>) target(%dma_start3A_74 : memref<128x256xf32, #tpu.memory_space<hbm>>) target_semaphore(%arg18 : memref<!tpu.dma_semaphore, #tpu.memory_space<semaphore_mem>>)
      %add3A_75 = arith.constant 2 : i32
      %add3A_76 = arith.addi %add3A_61, %add3A_75 : i32
      %lt3A_77 = arith.constant 8 : i32
      %lt3A_78 = arith.cmpi slt, %add3A_76, %lt3A_77 : i32
      %convert_element_type3A_79 = arith.extui %lt3A_78 : i1 to i32
      %cond3A_80 = arith.constant 0 : i32
      %cond3A_81 = arith.cmpi ne, %convert_element_type3A_79, %cond3A_80 : i32
      scf.if %cond3A_81 {
        %mul3A_82 = arith.constant 128 : i32
        %mul3A_83 = arith.muli %add3A_61, %mul3A_82 : i32
        %add3A_84 = arith.addi %mul3A_2, %mul3A_83 : i32
        %dma_wait3A_85 = arith.constant 0 : i32
        %dma_wait3A_86 = tpu.memref_slice %arg7[%add3A_84, %dma_wait3A_85] : memref<32768x256xf32, #tpu.memory_space<hbm>> -> memref<128x256xf32, #tpu.memory_space<hbm>>
        %dma_wait3A_87 = arith.constant 0 : i32
        %dma_wait3A_88 = tpu.memref_slice %arg7[%add3A_84, %dma_wait3A_87] : memref<32768x256xf32, #tpu.memory_space<hbm>> -> memref<128x256xf32, #tpu.memory_space<hbm>>
        tpu.wait_dma2 semaphore(%arg18 : memref<!tpu.dma_semaphore, #tpu.memory_space<semaphore_mem>>) src(%arg14 : memref<128x256xf32, #tpu.memory_space<vmem>>) dst(%dma_wait3A_88 : memref<128x256xf32, #tpu.memory_space<hbm>>)
        %add3A_89 = arith.constant 2 : i32
        %add3A_90 = arith.addi %add3A_61, %add3A_89 : i32
        %dma_start3A_91 = arith.constant 0 : i32
        %dma_start3A_92 = tpu.memref_slice %arg10[%add3A_90, %dma_start3A_91] : memref<8x128xi32, #tpu.memory_space<vmem>> -> memref<1x128xi32, #tpu.memory_space<vmem>>
        %dma_start3A_93 = tpu.memref_squeeze %dma_start3A_92 : memref<1x128xi32, #tpu.memory_space<vmem>> -> memref<128xi32, #tpu.memory_space<vmem>>
        %dma_start3A_94 = arith.constant 0 : i32
        %dma_start3A_95 = arith.constant 0 : i32
        %dma_start3A_96 = tpu.memref_slice %arg2[%dma_start3A_94, %dma_start3A_95] : memref<35840x256xf32, #tpu.memory_space<hbm>> -> memref<35840x256xf32, #tpu.memory_space<hbm>>
        tpu.enqueue_indirect_dma source(%dma_start3A_96 : memref<35840x256xf32, #tpu.memory_space<hbm>>) target(%arg14 : memref<128x256xf32, #tpu.memory_space<vmem>>) offsets(%dma_start3A_93 : memref<128xi32, #tpu.memory_space<vmem>>) semaphore(%arg16 : memref<!tpu.dma_semaphore, #tpu.memory_space<semaphore_mem>>)
      } else {
      }
    }
    %scan3A_24 = arith.constant 4 : i32
    %add3A_25 = arith.constant 768 : i32
    %add3A_26 = arith.addi %mul3A_2, %add3A_25 : i32
    %dma_wait3A = arith.constant 0 : i32
    %dma_wait3A_27 = tpu.memref_slice %arg7[%add3A_26, %dma_wait3A] : memref<32768x256xf32, #tpu.memory_space<hbm>> -> memref<128x256xf32, #tpu.memory_space<hbm>>
    %dma_wait3A_28 = arith.constant 0 : i32
    %dma_wait3A_29 = tpu.memref_slice %arg7[%add3A_26, %dma_wait3A_28] : memref<32768x256xf32, #tpu.memory_space<hbm>> -> memref<128x256xf32, #tpu.memory_space<hbm>>
    tpu.wait_dma2 semaphore(%arg17 : memref<!tpu.dma_semaphore, #tpu.memory_space<semaphore_mem>>) src(%arg13 : memref<128x256xf32, #tpu.memory_space<vmem>>) dst(%dma_wait3A_29 : memref<128x256xf32, #tpu.memory_space<hbm>>)
    %add3A_30 = arith.constant 896 : i32
    %add3A_31 = arith.addi %mul3A_2, %add3A_30 : i32
    %dma_wait3A_32 = arith.constant 0 : i32
    %dma_wait3A_33 = tpu.memref_slice %arg7[%add3A_31, %dma_wait3A_32] : memref<32768x256xf32, #tpu.memory_space<hbm>> -> memref<128x256xf32, #tpu.memory_space<hbm>>
    %dma_wait3A_34 = arith.constant 0 : i32
    %dma_wait3A_35 = tpu.memref_slice %arg7[%add3A_31, %dma_wait3A_34] : memref<32768x256xf32, #tpu.memory_space<hbm>> -> memref<128x256xf32, #tpu.memory_space<hbm>>
    tpu.wait_dma2 semaphore(%arg18 : memref<!tpu.dma_semaphore, #tpu.memory_space<semaphore_mem>>) src(%arg14 : memref<128x256xf32, #tpu.memory_space<vmem>>) dst(%dma_wait3A_35 : memref<128x256xf32, #tpu.memory_space<hbm>>)
    return
  }
}

module attributes {stable_mosaic.version = 14 : i64} {
  func.func @_gating_kernel(%arg0: i32, %arg1: memref<512x256xf32, #tpu.memory_space<vmem>>, %arg2: memref<256x3xbf16, #tpu.memory_space<vmem>>, %arg3: memref<3xf32, #tpu.memory_space<smem>>, %arg4: memref<1x1x512xi32, #tpu.memory_space<vmem>>, %arg5: memref<1x1x512xi32, #tpu.memory_space<vmem>>, %arg6: memref<1x1x512xf32, #tpu.memory_space<vmem>>, %arg7: memref<3xf32, #tpu.memory_space<smem>>, %arg8: memref<3xf32, #tpu.memory_space<smem>>, %arg9: memref<512x512xbf16, #tpu.memory_space<vmem>>) attributes {dimension_semantics = [#tpu.dimension_semantics<arbitrary>], iteration_bounds = array<i64: 64>, scalar_prefetch = 0 : i64, scratch_operands = 1 : i64, tpu.core_type = #tpu.core_type<tc>, window_params = [{transform_indices = @transform_0, window_bounds = array<i64: 512, 256>}, {pipeline_mode = #tpu.pipeline_mode<synchronous>, transform_indices = @transform_1, window_bounds = array<i64: 256, 3>}, {transform_indices = @transform_2, window_bounds = array<i64: 3>}, {transform_indices = @transform_3, window_bounds = array<i64: 1, 1, 512>}, {transform_indices = @transform_4, window_bounds = array<i64: 1, 1, 512>}, {transform_indices = @transform_5, window_bounds = array<i64: 1, 1, 512>}, {transform_indices = @transform_6, window_bounds = array<i64: 3>}, {transform_indices = @transform_7, window_bounds = array<i64: 3>}]} {
    %eq3A = arith.constant 0 : i32
    %eq3A_0 = arith.cmpi eq, %arg0, %eq3A : i32
    %convert_element_type3A = arith.extui %eq3A_0 : i1 to i32
    %cond3A = arith.constant 0 : i32
    %cond3A_1 = arith.cmpi ne, %convert_element_type3A, %cond3A : i32
    scf.if %cond3A_1 {
      %swap3A_163 = arith.constant 0.000000e+00 : f32
      %swap3A_164 = arith.constant 0 : index
      %swap3A_165 = memref.load %arg7[%swap3A_164] : memref<3xf32, #tpu.memory_space<smem>>
      memref.store %swap3A_163, %arg7[%swap3A_164] : memref<3xf32, #tpu.memory_space<smem>>
      %swap3A_166 = arith.constant 0.000000e+00 : f32
      %swap3A_167 = arith.constant 0 : index
      %swap3A_168 = memref.load %arg8[%swap3A_167] : memref<3xf32, #tpu.memory_space<smem>>
      memref.store %swap3A_166, %arg8[%swap3A_167] : memref<3xf32, #tpu.memory_space<smem>>
      %swap3A_169 = arith.constant 0.000000e+00 : f32
      %swap3A_170 = arith.constant 1 : index
      %swap3A_171 = memref.load %arg7[%swap3A_170] : memref<3xf32, #tpu.memory_space<smem>>
      memref.store %swap3A_169, %arg7[%swap3A_170] : memref<3xf32, #tpu.memory_space<smem>>
      %swap3A_172 = arith.constant 0.000000e+00 : f32
      %swap3A_173 = arith.constant 1 : index
      %swap3A_174 = memref.load %arg8[%swap3A_173] : memref<3xf32, #tpu.memory_space<smem>>
      memref.store %swap3A_172, %arg8[%swap3A_173] : memref<3xf32, #tpu.memory_space<smem>>
      %swap3A_175 = arith.constant 0.000000e+00 : f32
      %swap3A_176 = arith.constant 2 : index
      %swap3A_177 = memref.load %arg7[%swap3A_176] : memref<3xf32, #tpu.memory_space<smem>>
      memref.store %swap3A_175, %arg7[%swap3A_176] : memref<3xf32, #tpu.memory_space<smem>>
      %swap3A_178 = arith.constant 0.000000e+00 : f32
      %swap3A_179 = arith.constant 2 : index
      %swap3A_180 = memref.load %arg8[%swap3A_179] : memref<3xf32, #tpu.memory_space<smem>>
      memref.store %swap3A_178, %arg8[%swap3A_179] : memref<3xf32, #tpu.memory_space<smem>>
      %iota3A_181 = tpu.iota {dimensions = array<i32: 0>} : vector<512x512xi32>
      %iota3A_182 = tpu.iota {dimensions = array<i32: 1>} : vector<512x512xi32>
      %lt3A = arith.cmpi slt, %iota3A_181, %iota3A_182 : vector<512x512xi32>
      %convert_element_type3A_183 = arith.extui %lt3A : vector<512x512xi1> to vector<512x512xi32>
      %convert_element_type3A_184 = arith.sitofp %convert_element_type3A_183 : vector<512x512xi32> to vector<512x512xf32>
      %convert_element_type3A_185 = arith.truncf %convert_element_type3A_184 : vector<512x512xf32> to vector<512x512xbf16>
      %swap3A_186 = arith.constant 0 : index
      %swap3A_187 = arith.constant 0 : index
      %swap3A_188 = vector.load %arg9[%swap3A_186, %swap3A_187] : memref<512x512xbf16, #tpu.memory_space<vmem>>, vector<512x512xbf16>
      tpu.vector_store %arg9[%swap3A_186, %swap3A_187], %convert_element_type3A_185 {strides = array<i32>} : memref<512x512xbf16, #tpu.memory_space<vmem>>, vector<512x512xbf16>,
    } else {
    }
    %get3A = arith.constant 0 : index
    %get3A_2 = arith.constant 0 : index
    %get3A_3 = vector.load %arg1[%get3A, %get3A_2] : memref<512x256xf32, #tpu.memory_space<vmem>>, vector<512x256xf32>
    %convert_element_type3A_4 = arith.truncf %get3A_3 : vector<512x256xf32> to vector<512x256xbf16>
    %get3A_5 = arith.constant 0 : index
    %get3A_6 = arith.constant 0 : index
    %get3A_7 = vector.load %arg2[%get3A_5, %get3A_6] : memref<256x3xbf16, #tpu.memory_space<vmem>>, vector<256x3xbf16>
    %dot_general3A = arith.constant dense<0.000000e+00> : vector<512x3xf32>
    %dot_general3A_8 = tpu.matmul %convert_element_type3A_4, %get3A_7, %dot_general3A {dimension_numbers = #tpu.dot_dimension_numbers<[1], [0], [0], [1], [0, 0, 1, 1], [], []>, transpose_lhs_hint = false} : vector<512x256xbf16>, vector<256x3xbf16>, vector<512x3xf32> -> vector<512x3xf32>
    %transpose3A = tpu.transpose %dot_general3A_8, [1, 0] : vector<512x3xf32> -> vector<3x512xf32>
    %slice3A = vector.extract_strided_slice %transpose3A {offsets = [0, 0], sizes = [1, 512], strides = [1, 1]} : vector<3x512xf32> to vector<1x512xf32>
    %get3A_9 = arith.constant 0 : index
    %get3A_10 = memref.load %arg3[%get3A_9] : memref<3xf32, #tpu.memory_space<smem>>
    %add3A = vector.broadcast %get3A_10 : f32 to vector<1x512xf32>
    %add3A_11 = arith.addf %slice3A, %add3A : vector<1x512xf32>
    %slice3A_12 = vector.extract_strided_slice %transpose3A {offsets = [1, 0], sizes = [1, 512], strides = [1, 1]} : vector<3x512xf32> to vector<1x512xf32>
    %get3A_13 = arith.constant 1 : index
    %get3A_14 = memref.load %arg3[%get3A_13] : memref<3xf32, #tpu.memory_space<smem>>
    %add3A_15 = vector.broadcast %get3A_14 : f32 to vector<1x512xf32>
    %add3A_16 = arith.addf %slice3A_12, %add3A_15 : vector<1x512xf32>
    %slice3A_17 = vector.extract_strided_slice %transpose3A {offsets = [2, 0], sizes = [1, 512], strides = [1, 1]} : vector<3x512xf32> to vector<1x512xf32>
    %get3A_18 = arith.constant 2 : index
    %get3A_19 = memref.load %arg3[%get3A_18] : memref<3xf32, #tpu.memory_space<smem>>
    %add3A_20 = vector.broadcast %get3A_19 : f32 to vector<1x512xf32>
    %add3A_21 = arith.addf %slice3A_17, %add3A_20 : vector<1x512xf32>
    %max3A = arith.maximumf %add3A_11, %add3A_16 : vector<1x512xf32>
    %max3A_22 = arith.maximumf %max3A, %add3A_21 : vector<1x512xf32>
    %sub3A = arith.subf %add3A_11, %max3A_22 : vector<1x512xf32>
    %exp3A = math.exp %sub3A : vector<1x512xf32>
    %sub3A_23 = arith.subf %add3A_16, %max3A_22 : vector<1x512xf32>
    %exp3A_24 = math.exp %sub3A_23 : vector<1x512xf32>
    %add3A_25 = arith.addf %exp3A, %exp3A_24 : vector<1x512xf32>
    %sub3A_26 = arith.subf %add3A_21, %max3A_22 : vector<1x512xf32>
    %exp3A_27 = math.exp %sub3A_26 : vector<1x512xf32>
    %add3A_28 = arith.addf %add3A_25, %exp3A_27 : vector<1x512xf32>
    %div3A = arith.constant 1.000000e+00 : f32
    %div3A_29 = vector.broadcast %div3A : f32 to vector<1x512xf32>
    %div3A_30 = arith.divf %div3A_29, %add3A_28 : vector<1x512xf32>
    %ge3A = arith.cmpf oge, %add3A_11, %add3A_16 : vector<1x512xf32>
    %ge3A_31 = arith.cmpf oge, %add3A_11, %add3A_21 : vector<1x512xf32>
    %jit3A = arith.constant 0 : i32
    %jit3A_32 = arith.constant 2 : i32
    %broadcast_in_dim3A = vector.broadcast %jit3A : i32 to vector<1x512xi32>
    %broadcast_in_dim3A_33 = vector.broadcast %jit3A_32 : i32 to vector<1x512xi32>
    %select_n3A = arith.select %ge3A_31, %broadcast_in_dim3A, %broadcast_in_dim3A_33 : vector<1x512xi1>, vector<1x512xi32>
    %ge3A_34 = arith.cmpf oge, %add3A_16, %add3A_21 : vector<1x512xf32>
    %jit3A_35 = arith.constant 1 : i32
    %jit3A_36 = arith.constant 2 : i32
    %broadcast_in_dim3A_37 = vector.broadcast %jit3A_35 : i32 to vector<1x512xi32>
    %broadcast_in_dim3A_38 = vector.broadcast %jit3A_36 : i32 to vector<1x512xi32>
    %select_n3A_39 = arith.select %ge3A_34, %broadcast_in_dim3A_37, %broadcast_in_dim3A_38 : vector<1x512xi1>, vector<1x512xi32>
    %select_n3A_40 = arith.select %ge3A, %select_n3A, %select_n3A_39 : vector<1x512xi1>, vector<1x512xi32>
    %iota3A = tpu.iota {dimensions = array<i32: 0>} : vector<3x512xi32>
    %broadcast_in_dim3A_41 = vector.shape_cast %select_n3A_40 : vector<1x512xi32> to vector<1x512xi32>
    %broadcast_in_dim3A_42 = vector.broadcast %broadcast_in_dim3A_41 : vector<1x512xi32> to vector<3x512xi32>
    %eq3A_43 = arith.cmpi eq, %broadcast_in_dim3A_42, %iota3A : vector<3x512xi32>
    %convert_element_type3A_44 = arith.extui %eq3A_43 : vector<3x512xi1> to vector<3x512xi32>
    %convert_element_type3A_45 = arith.sitofp %convert_element_type3A_44 : vector<3x512xi32> to vector<3x512xf32>
    %convert_element_type3A_46 = arith.truncf %convert_element_type3A_45 : vector<3x512xf32> to vector<3x512xbf16>
    %get3A_47 = arith.constant 0 : index
    %get3A_48 = arith.constant 0 : index
    %get3A_49 = vector.load %arg9[%get3A_47, %get3A_48] : memref<512x512xbf16, #tpu.memory_space<vmem>>, vector<512x512xbf16>
    %dot_general3A_50 = arith.constant dense<0.000000e+00> : vector<3x512xf32>
    %dot_general3A_51 = tpu.matmul %convert_element_type3A_46, %get3A_49, %dot_general3A_50 {dimension_numbers = #tpu.dot_dimension_numbers<[1], [0], [0], [1], [0, 0, 1, 1], [], []>, transpose_lhs_hint = false} : vector<3x512xbf16>, vector<512x512xbf16>, vector<3x512xf32> -> vector<3x512xf32>
    %broadcast_in_dim3A_52 = arith.constant 0.000000e+00 : f32
    %broadcast_in_dim3A_53 = vector.broadcast %broadcast_in_dim3A_52 : f32 to vector<1x512xf32>
    %slice3A_54 = vector.extract_strided_slice %convert_element_type3A_45 {offsets = [0, 0], sizes = [1, 512], strides = [1, 1]} : vector<3x512xf32> to vector<1x512xf32>
    %slice3A_55 = vector.extract_strided_slice %dot_general3A_51 {offsets = [0, 0], sizes = [1, 512], strides = [1, 1]} : vector<3x512xf32> to vector<1x512xf32>
    %get3A_56 = arith.constant 0 : index
    %get3A_57 = memref.load %arg7[%get3A_56] : memref<3xf32, #tpu.memory_space<smem>>
    %add3A_58 = vector.broadcast %get3A_57 : f32 to vector<1x512xf32>
    %add3A_59 = arith.addf %slice3A_55, %add3A_58 : vector<1x512xf32>
    %mul3A = arith.mulf %slice3A_54, %add3A_59 : vector<1x512xf32>
    %add3A_60 = arith.addf %broadcast_in_dim3A_53, %mul3A : vector<1x512xf32>
    %slice3A_61 = vector.extract_strided_slice %convert_element_type3A_45 {offsets = [1, 0], sizes = [1, 512], strides = [1, 1]} : vector<3x512xf32> to vector<1x512xf32>
    %slice3A_62 = vector.extract_strided_slice %dot_general3A_51 {offsets = [1, 0], sizes = [1, 512], strides = [1, 1]} : vector<3x512xf32> to vector<1x512xf32>
    %get3A_63 = arith.constant 1 : index
    %get3A_64 = memref.load %arg7[%get3A_63] : memref<3xf32, #tpu.memory_space<smem>>
    %add3A_65 = vector.broadcast %get3A_64 : f32 to vector<1x512xf32>
    %add3A_66 = arith.addf %slice3A_62, %add3A_65 : vector<1x512xf32>
    %mul3A_67 = arith.mulf %slice3A_61, %add3A_66 : vector<1x512xf32>
    %add3A_68 = arith.addf %add3A_60, %mul3A_67 : vector<1x512xf32>
    %slice3A_69 = vector.extract_strided_slice %convert_element_type3A_45 {offsets = [2, 0], sizes = [1, 512], strides = [1, 1]} : vector<3x512xf32> to vector<1x512xf32>
    %slice3A_70 = vector.extract_strided_slice %dot_general3A_51 {offsets = [2, 0], sizes = [1, 512], strides = [1, 1]} : vector<3x512xf32> to vector<1x512xf32>
    %get3A_71 = arith.constant 2 : index
    %get3A_72 = memref.load %arg7[%get3A_71] : memref<3xf32, #tpu.memory_space<smem>>
    %add3A_73 = vector.broadcast %get3A_72 : f32 to vector<1x512xf32>
    %add3A_74 = arith.addf %slice3A_70, %add3A_73 : vector<1x512xf32>
    %mul3A_75 = arith.mulf %slice3A_69, %add3A_74 : vector<1x512xf32>
    %add3A_76 = arith.addf %add3A_68, %mul3A_75 : vector<1x512xf32>
    %swap3A = arith.constant 0 : index
    %swap3A_77 = arith.constant 0 : index
    %swap3A_78 = arith.constant 0 : index
    %swap3A_79 = vector.load %arg4[%swap3A, %swap3A_77, %swap3A_78] : memref<1x1x512xi32, #tpu.memory_space<vmem>>, vector<1x1x512xi32>
    %swap3A_80 = vector.shape_cast %swap3A_79 : vector<1x1x512xi32> to vector<1x512xi32>
    %swap3A_81 = vector.shape_cast %select_n3A_40 : vector<1x512xi32> to vector<1x1x512xi32>
    tpu.vector_store %arg4[%swap3A, %swap3A_77, %swap3A_78], %swap3A_81 {strides = array<i32>} : memref<1x1x512xi32, #tpu.memory_space<vmem>>, vector<1x1x512xi32>,
    %convert_element_type3A_82 = arith.fptosi %add3A_76 : vector<1x512xf32> to vector<1x512xi32>
    %swap3A_83 = arith.constant 0 : index
    %swap3A_84 = arith.constant 0 : index
    %swap3A_85 = arith.constant 0 : index
    %swap3A_86 = vector.load %arg5[%swap3A_83, %swap3A_84, %swap3A_85] : memref<1x1x512xi32, #tpu.memory_space<vmem>>, vector<1x1x512xi32>
    %swap3A_87 = vector.shape_cast %swap3A_86 : vector<1x1x512xi32> to vector<1x512xi32>
    %swap3A_88 = vector.shape_cast %convert_element_type3A_82 : vector<1x512xi32> to vector<1x1x512xi32>
    tpu.vector_store %arg5[%swap3A_83, %swap3A_84, %swap3A_85], %swap3A_88 {strides = array<i32>} : memref<1x1x512xi32, #tpu.memory_space<vmem>>, vector<1x1x512xi32>,
    %swap3A_89 = arith.constant 0 : index
    %swap3A_90 = arith.constant 0 : index
    %swap3A_91 = arith.constant 0 : index
    %swap3A_92 = vector.load %arg6[%swap3A_89, %swap3A_90, %swap3A_91] : memref<1x1x512xf32, #tpu.memory_space<vmem>>, vector<1x1x512xf32>
    %swap3A_93 = vector.shape_cast %swap3A_92 : vector<1x1x512xf32> to vector<1x512xf32>
    %swap3A_94 = vector.shape_cast %div3A_30 : vector<1x512xf32> to vector<1x1x512xf32>
    tpu.vector_store %arg6[%swap3A_89, %swap3A_90, %swap3A_91], %swap3A_94 {strides = array<i32>} : memref<1x1x512xf32, #tpu.memory_space<vmem>>, vector<1x1x512xf32>,
    %get3A_95 = arith.constant 0 : index
    %get3A_96 = memref.load %arg7[%get3A_95] : memref<3xf32, #tpu.memory_space<smem>>
    %slice3A_97 = vector.extract_strided_slice %convert_element_type3A_45 {offsets = [0, 0], sizes = [1, 512], strides = [1, 1]} : vector<3x512xf32> to vector<1x512xf32>
    %reduce_sum3A = vector.shape_cast %slice3A_97 : vector<1x512xf32> to vector<1x1x512xf32>
    %reduce_sum3A_98 = arith.constant dense<0.000000e+00> : vector<1xf32>
    %reduce_sum3A_99 = vector.multi_reduction <add>, %reduce_sum3A, %reduce_sum3A_98 [1, 2] : vector<1x1x512xf32> to vector<1xf32>
    %reduce_sum3A_100 = vector.shape_cast %reduce_sum3A_99 : vector<1xf32> to vector<1x1x1xf32>
    %reduce_sum3A_101 = vector.extract %reduce_sum3A_100[0, 0, 0] : f32 from vector<1x1x1xf32>
    %add3A_102 = arith.addf %get3A_96, %reduce_sum3A_101 : f32
    %swap3A_103 = arith.constant 0 : index
    %swap3A_104 = memref.load %arg7[%swap3A_103] : memref<3xf32, #tpu.memory_space<smem>>
    memref.store %add3A_102, %arg7[%swap3A_103] : memref<3xf32, #tpu.memory_space<smem>>
    %get3A_105 = arith.constant 0 : index
    %get3A_106 = memref.load %arg8[%get3A_105] : memref<3xf32, #tpu.memory_space<smem>>
    %slice3A_107 = vector.extract_strided_slice %convert_element_type3A_45 {offsets = [0, 0], sizes = [1, 512], strides = [1, 1]} : vector<3x512xf32> to vector<1x512xf32>
    %mul3A_108 = arith.mulf %slice3A_107, %div3A_30 : vector<1x512xf32>
    %reduce_sum3A_109 = vector.shape_cast %mul3A_108 : vector<1x512xf32> to vector<1x1x512xf32>
    %reduce_sum3A_110 = arith.constant dense<0.000000e+00> : vector<1xf32>
    %reduce_sum3A_111 = vector.multi_reduction <add>, %reduce_sum3A_109, %reduce_sum3A_110 [1, 2] : vector<1x1x512xf32> to vector<1xf32>
    %reduce_sum3A_112 = vector.shape_cast %reduce_sum3A_111 : vector<1xf32> to vector<1x1x1xf32>
    %reduce_sum3A_113 = vector.extract %reduce_sum3A_112[0, 0, 0] : f32 from vector<1x1x1xf32>
    %add3A_114 = arith.addf %get3A_106, %reduce_sum3A_113 : f32
    %swap3A_115 = arith.constant 0 : index
    %swap3A_116 = memref.load %arg8[%swap3A_115] : memref<3xf32, #tpu.memory_space<smem>>
    memref.store %add3A_114, %arg8[%swap3A_115] : memref<3xf32, #tpu.memory_space<smem>>
    %get3A_117 = arith.constant 1 : index
    %get3A_118 = memref.load %arg7[%get3A_117] : memref<3xf32, #tpu.memory_space<smem>>
    %slice3A_119 = vector.extract_strided_slice %convert_element_type3A_45 {offsets = [1, 0], sizes = [1, 512], strides = [1, 1]} : vector<3x512xf32> to vector<1x512xf32>
    %reduce_sum3A_120 = vector.shape_cast %slice3A_119 : vector<1x512xf32> to vector<1x1x512xf32>
    %reduce_sum3A_121 = arith.constant dense<0.000000e+00> : vector<1xf32>
    %reduce_sum3A_122 = vector.multi_reduction <add>, %reduce_sum3A_120, %reduce_sum3A_121 [1, 2] : vector<1x1x512xf32> to vector<1xf32>
    %reduce_sum3A_123 = vector.shape_cast %reduce_sum3A_122 : vector<1xf32> to vector<1x1x1xf32>
    %reduce_sum3A_124 = vector.extract %reduce_sum3A_123[0, 0, 0] : f32 from vector<1x1x1xf32>
    %add3A_125 = arith.addf %get3A_118, %reduce_sum3A_124 : f32
    %swap3A_126 = arith.constant 1 : index
    %swap3A_127 = memref.load %arg7[%swap3A_126] : memref<3xf32, #tpu.memory_space<smem>>
    memref.store %add3A_125, %arg7[%swap3A_126] : memref<3xf32, #tpu.memory_space<smem>>
    %get3A_128 = arith.constant 1 : index
    %get3A_129 = memref.load %arg8[%get3A_128] : memref<3xf32, #tpu.memory_space<smem>>
    %slice3A_130 = vector.extract_strided_slice %convert_element_type3A_45 {offsets = [1, 0], sizes = [1, 512], strides = [1, 1]} : vector<3x512xf32> to vector<1x512xf32>
    %mul3A_131 = arith.mulf %slice3A_130, %div3A_30 : vector<1x512xf32>
    %reduce_sum3A_132 = vector.shape_cast %mul3A_131 : vector<1x512xf32> to vector<1x1x512xf32>
    %reduce_sum3A_133 = arith.constant dense<0.000000e+00> : vector<1xf32>
    %reduce_sum3A_134 = vector.multi_reduction <add>, %reduce_sum3A_132, %reduce_sum3A_133 [1, 2] : vector<1x1x512xf32> to vector<1xf32>
    %reduce_sum3A_135 = vector.shape_cast %reduce_sum3A_134 : vector<1xf32> to vector<1x1x1xf32>
    %reduce_sum3A_136 = vector.extract %reduce_sum3A_135[0, 0, 0] : f32 from vector<1x1x1xf32>
    %add3A_137 = arith.addf %get3A_129, %reduce_sum3A_136 : f32
    %swap3A_138 = arith.constant 1 : index
    %swap3A_139 = memref.load %arg8[%swap3A_138] : memref<3xf32, #tpu.memory_space<smem>>
    memref.store %add3A_137, %arg8[%swap3A_138] : memref<3xf32, #tpu.memory_space<smem>>
    %get3A_140 = arith.constant 2 : index
    %get3A_141 = memref.load %arg7[%get3A_140] : memref<3xf32, #tpu.memory_space<smem>>
    %slice3A_142 = vector.extract_strided_slice %convert_element_type3A_45 {offsets = [2, 0], sizes = [1, 512], strides = [1, 1]} : vector<3x512xf32> to vector<1x512xf32>
    %reduce_sum3A_143 = vector.shape_cast %slice3A_142 : vector<1x512xf32> to vector<1x1x512xf32>
    %reduce_sum3A_144 = arith.constant dense<0.000000e+00> : vector<1xf32>
    %reduce_sum3A_145 = vector.multi_reduction <add>, %reduce_sum3A_143, %reduce_sum3A_144 [1, 2] : vector<1x1x512xf32> to vector<1xf32>
    %reduce_sum3A_146 = vector.shape_cast %reduce_sum3A_145 : vector<1xf32> to vector<1x1x1xf32>
    %reduce_sum3A_147 = vector.extract %reduce_sum3A_146[0, 0, 0] : f32 from vector<1x1x1xf32>
    %add3A_148 = arith.addf %get3A_141, %reduce_sum3A_147 : f32
    %swap3A_149 = arith.constant 2 : index
    %swap3A_150 = memref.load %arg7[%swap3A_149] : memref<3xf32, #tpu.memory_space<smem>>
    memref.store %add3A_148, %arg7[%swap3A_149] : memref<3xf32, #tpu.memory_space<smem>>
    %get3A_151 = arith.constant 2 : index
    %get3A_152 = memref.load %arg8[%get3A_151] : memref<3xf32, #tpu.memory_space<smem>>
    %slice3A_153 = vector.extract_strided_slice %convert_element_type3A_45 {offsets = [2, 0], sizes = [1, 512], strides = [1, 1]} : vector<3x512xf32> to vector<1x512xf32>
    %mul3A_154 = arith.mulf %slice3A_153, %div3A_30 : vector<1x512xf32>
    %reduce_sum3A_155 = vector.shape_cast %mul3A_154 : vector<1x512xf32> to vector<1x1x512xf32>
    %reduce_sum3A_156 = arith.constant dense<0.000000e+00> : vector<1xf32>
    %reduce_sum3A_157 = vector.multi_reduction <add>, %reduce_sum3A_155, %reduce_sum3A_156 [1, 2] : vector<1x1x512xf32> to vector<1xf32>
    %reduce_sum3A_158 = vector.shape_cast %reduce_sum3A_157 : vector<1xf32> to vector<1x1x1xf32>
    %reduce_sum3A_159 = vector.extract %reduce_sum3A_158[0, 0, 0] : f32 from vector<1x1x1xf32>
    %add3A_160 = arith.addf %get3A_152, %reduce_sum3A_159 : f32
    %swap3A_161 = arith.constant 2 : index
    %swap3A_162 = memref.load %arg8[%swap3A_161] : memref<3xf32, #tpu.memory_space<smem>>
    memref.store %add3A_160, %arg8[%swap3A_161] : memref<3xf32, #tpu.memory_space<smem>>
    return
  }
  func.func @transform_0(%arg0: i32) -> (i32, i32) {
    %c0_i32 = arith.constant 0 : i32
    %c0_i32_0 = arith.constant 0 : i32
    return %arg0, %c0_i32 : i32, i32
  }
  func.func @transform_1(%arg0: i32) -> (i32, i32) {
    %c0_i32 = arith.constant 0 : i32
    %c0_i32_0 = arith.constant 0 : i32
    %c0_i32_1 = arith.constant 0 : i32
    return %c0_i32, %c0_i32_0 : i32, i32
  }
  func.func @transform_2(%arg0: i32) -> i32 {
    %c0_i32 = arith.constant 0 : i32
    %c0_i32_0 = arith.constant 0 : i32
    return %c0_i32 : i32
  }
  func.func @transform_3(%arg0: i32) -> (i32, i32, i32) {
    %c0_i32 = arith.constant 0 : i32
    %c0_i32_0 = arith.constant 0 : i32
    %c0_i32_1 = arith.constant 0 : i32
    return %arg0, %c0_i32, %c0_i32_0 : i32, i32, i32
  }
  func.func @transform_4(%arg0: i32) -> (i32, i32, i32) {
    %c0_i32 = arith.constant 0 : i32
    %c0_i32_0 = arith.constant 0 : i32
    %c0_i32_1 = arith.constant 0 : i32
    return %arg0, %c0_i32, %c0_i32_0 : i32, i32, i32
  }
  func.func @transform_5(%arg0: i32) -> (i32, i32, i32) {
    %c0_i32 = arith.constant 0 : i32
    %c0_i32_0 = arith.constant 0 : i32
    %c0_i32_1 = arith.constant 0 : i32
    return %arg0, %c0_i32, %c0_i32_0 : i32, i32, i32
  }
  func.func @transform_6(%arg0: i32) -> i32 {
    %c0_i32 = arith.constant 0 : i32
    %c0_i32_0 = arith.constant 0 : i32
    return %c0_i32 : i32
  }
  func.func @transform_7(%arg0: i32) -> i32 {
    %c0_i32 = arith.constant 0 : i32
    %c0_i32_0 = arith.constant 0 : i32
    return %c0_i32 : i32
  }
}

module attributes {stable_mosaic.version = 14 : i64} {
  func.func @_expert_kernel(%arg0: i32, %arg1: memref<35xi32, #tpu.memory_space<smem>>, %arg2: memref<1024x256xf32, #tpu.memory_space<vmem>>, %arg3: memref<1x256x1280xbf16, #tpu.memory_space<vmem>>, %arg4: memref<1x1x1280xf32, #tpu.memory_space<vmem>>, %arg5: memref<1x640x256xbf16, #tpu.memory_space<vmem>>, %arg6: memref<1x1x256xf32, #tpu.memory_space<vmem>>, %arg7: memref<1024x256xf32, #tpu.memory_space<vmem>>) attributes {dimension_semantics = [#tpu.dimension_semantics<arbitrary>], iteration_bounds = array<i64: 35>, scalar_prefetch = 1 : i64, scratch_operands = 0 : i64, tpu.core_type = #tpu.core_type<tc>, window_params = [{transform_indices = @transform_0, window_bounds = array<i64: 1024, 256>}, {transform_indices = @transform_1, window_bounds = array<i64: 1, 256, 1280>}, {transform_indices = @transform_2, window_bounds = array<i64: 1, 1, 1280>}, {transform_indices = @transform_3, window_bounds = array<i64: 1, 640, 256>}, {transform_indices = @transform_4, window_bounds = array<i64: 1, 1, 256>}, {transform_indices = @transform_5, window_bounds = array<i64: 1024, 256>}]} {
    %get3A = arith.constant 0 : index
    %get3A_0 = arith.constant 0 : index
    %get3A_1 = vector.load %arg2[%get3A, %get3A_0] : memref<1024x256xf32, #tpu.memory_space<vmem>>, vector<1024x256xf32>
    %convert_element_type3A = arith.truncf %get3A_1 : vector<1024x256xf32> to vector<1024x256xbf16>
    %get3A_2 = arith.constant 0 : index
    %get3A_3 = arith.constant 0 : index
    %get3A_4 = arith.constant 0 : index
    %get3A_5 = vector.load %arg3[%get3A_2, %get3A_3, %get3A_4] : memref<1x256x1280xbf16, #tpu.memory_space<vmem>>, vector<1x256x1280xbf16>
    %get3A_6 = vector.shape_cast %get3A_5 : vector<1x256x1280xbf16> to vector<256x1280xbf16>
    %dot_general3A = arith.constant dense<0.000000e+00> : vector<1024x1280xf32>
    %dot_general3A_7 = tpu.matmul %convert_element_type3A, %get3A_6, %dot_general3A {dimension_numbers = #tpu.dot_dimension_numbers<[1], [0], [0], [1], [0, 0, 1, 1], [], []>, transpose_lhs_hint = false} : vector<1024x256xbf16>, vector<256x1280xbf16>, vector<1024x1280xf32> -> vector<1024x1280xf32>
    %get3A_8 = arith.constant 0 : index
    %get3A_9 = arith.constant 0 : index
    %get3A_10 = arith.constant 0 : index
    %get3A_11 = vector.load %arg4[%get3A_8, %get3A_9, %get3A_10] : memref<1x1x1280xf32, #tpu.memory_space<vmem>>, vector<1x1x1280xf32>
    %get3A_12 = vector.shape_cast %get3A_11 : vector<1x1x1280xf32> to vector<1x1280xf32>
    %add3A = vector.broadcast %get3A_12 : vector<1x1280xf32> to vector<1024x1280xf32>
    %add3A_13 = arith.addf %dot_general3A_7, %add3A : vector<1024x1280xf32>
    %slice3A = vector.extract_strided_slice %add3A_13 {offsets = [0, 0], sizes = [1024, 640], strides = [1, 1]} : vector<1024x1280xf32> to vector<1024x640xf32>
    %slice3A_14 = vector.extract_strided_slice %add3A_13 {offsets = [0, 640], sizes = [1024, 640], strides = [1, 1]} : vector<1024x1280xf32> to vector<1024x640xf32>
    %mul3A = arith.constant 5.000000e-01 : f32
    %mul3A_15 = vector.broadcast %mul3A : f32 to vector<1024x640xf32>
    %mul3A_16 = arith.mulf %mul3A_15, %slice3A_14 : vector<1024x640xf32>
    %mul3A_17 = arith.constant 0.707106769 : f32
    %mul3A_18 = vector.broadcast %mul3A_17 : f32 to vector<1024x640xf32>
    %mul3A_19 = arith.mulf %slice3A_14, %mul3A_18 : vector<1024x640xf32>
    %erf3A = math.erf %mul3A_19 : vector<1024x640xf32>
    %add3A_20 = arith.constant 1.000000e+00 : f32
    %add3A_21 = vector.broadcast %add3A_20 : f32 to vector<1024x640xf32>
    %add3A_22 = arith.addf %add3A_21, %erf3A : vector<1024x640xf32>
    %mul3A_23 = arith.mulf %mul3A_16, %add3A_22 : vector<1024x640xf32>
    %mul3A_24 = arith.mulf %slice3A, %mul3A_23 : vector<1024x640xf32>
    %convert_element_type3A_25 = arith.truncf %mul3A_24 : vector<1024x640xf32> to vector<1024x640xbf16>
    %get3A_26 = arith.constant 0 : index
    %get3A_27 = arith.constant 0 : index
    %get3A_28 = arith.constant 0 : index
    %get3A_29 = vector.load %arg5[%get3A_26, %get3A_27, %get3A_28] : memref<1x640x256xbf16, #tpu.memory_space<vmem>>, vector<1x640x256xbf16>
    %get3A_30 = vector.shape_cast %get3A_29 : vector<1x640x256xbf16> to vector<640x256xbf16>
    %dot_general3A_31 = arith.constant dense<0.000000e+00> : vector<1024x256xf32>
    %dot_general3A_32 = tpu.matmul %convert_element_type3A_25, %get3A_30, %dot_general3A_31 {dimension_numbers = #tpu.dot_dimension_numbers<[1], [0], [0], [1], [0, 0, 1, 1], [], []>, transpose_lhs_hint = false} : vector<1024x640xbf16>, vector<640x256xbf16>, vector<1024x256xf32> -> vector<1024x256xf32>
    %get3A_33 = arith.constant 0 : index
    %get3A_34 = arith.constant 0 : index
    %get3A_35 = arith.constant 0 : index
    %get3A_36 = vector.load %arg6[%get3A_33, %get3A_34, %get3A_35] : memref<1x1x256xf32, #tpu.memory_space<vmem>>, vector<1x1x256xf32>
    %get3A_37 = vector.shape_cast %get3A_36 : vector<1x1x256xf32> to vector<1x256xf32>
    %add3A_38 = vector.broadcast %get3A_37 : vector<1x256xf32> to vector<1024x256xf32>
    %add3A_39 = arith.addf %dot_general3A_32, %add3A_38 : vector<1024x256xf32>
    %swap3A = arith.constant 0 : index
    %swap3A_40 = arith.constant 0 : index
    %swap3A_41 = vector.load %arg7[%swap3A, %swap3A_40] : memref<1024x256xf32, #tpu.memory_space<vmem>>, vector<1024x256xf32>
    tpu.vector_store %arg7[%swap3A, %swap3A_40], %add3A_39 {strides = array<i32>} : memref<1024x256xf32, #tpu.memory_space<vmem>>, vector<1024x256xf32>,
    return
  }
  func.func @transform_0(%arg0: i32, %arg1: memref<35xi32, #tpu.memory_space<smem>>) -> (i32, i32) {
    %c0_i32 = arith.constant 0 : i32
    %c0_i32_0 = arith.constant 0 : i32
    return %arg0, %c0_i32 : i32, i32
  }
  func.func @transform_1(%arg0: i32, %arg1: memref<35xi32, #tpu.memory_space<smem>>) -> (i32, i32, i32) {
    %get3A = arith.index_cast %arg0 : i32 to index
    %get3A_0 = memref.load %arg1[%get3A] : memref<35xi32, #tpu.memory_space<smem>>
    %c0_i32 = arith.constant 0 : i32
    %c0_i32_1 = arith.constant 0 : i32
    %c0_i32_2 = arith.constant 0 : i32
    return %get3A_0, %c0_i32, %c0_i32_1 : i32, i32, i32
  }
  func.func @transform_2(%arg0: i32, %arg1: memref<35xi32, #tpu.memory_space<smem>>) -> (i32, i32, i32) {
    %get3A = arith.index_cast %arg0 : i32 to index
    %get3A_0 = memref.load %arg1[%get3A] : memref<35xi32, #tpu.memory_space<smem>>
    %c0_i32 = arith.constant 0 : i32
    %c0_i32_1 = arith.constant 0 : i32
    %c0_i32_2 = arith.constant 0 : i32
    return %get3A_0, %c0_i32, %c0_i32_1 : i32, i32, i32
  }
  func.func @transform_3(%arg0: i32, %arg1: memref<35xi32, #tpu.memory_space<smem>>) -> (i32, i32, i32) {
    %get3A = arith.index_cast %arg0 : i32 to index
    %get3A_0 = memref.load %arg1[%get3A] : memref<35xi32, #tpu.memory_space<smem>>
    %c0_i32 = arith.constant 0 : i32
    %c0_i32_1 = arith.constant 0 : i32
    %c0_i32_2 = arith.constant 0 : i32
    return %get3A_0, %c0_i32, %c0_i32_1 : i32, i32, i32
  }
  func.func @transform_4(%arg0: i32, %arg1: memref<35xi32, #tpu.memory_space<smem>>) -> (i32, i32, i32) {
    %get3A = arith.index_cast %arg0 : i32 to index
    %get3A_0 = memref.load %arg1[%get3A] : memref<35xi32, #tpu.memory_space<smem>>
    %c0_i32 = arith.constant 0 : i32
    %c0_i32_1 = arith.constant 0 : i32
    %c0_i32_2 = arith.constant 0 : i32
    return %get3A_0, %c0_i32, %c0_i32_1 : i32, i32, i32
  }
  func.func @transform_5(%arg0: i32, %arg1: memref<35xi32, #tpu.memory_space<smem>>) -> (i32, i32) {
    %c0_i32 = arith.constant 0 : i32
    %c0_i32_0 = arith.constant 0 : i32
    return %arg0, %c0_i32 : i32, i32
  }
}

module attributes {stable_mosaic.version = 14 : i64} {
  func.func @_scale_kernel(%arg0: i32, %arg1: memref<512x256xf32, #tpu.memory_space<vmem>>, %arg2: memref<1x1x512xf32, #tpu.memory_space<vmem>>, %arg3: memref<512x256xf32, #tpu.memory_space<vmem>>) attributes {dimension_semantics = [#tpu.dimension_semantics<arbitrary>], iteration_bounds = array<i64: 64>, scalar_prefetch = 0 : i64, scratch_operands = 0 : i64, tpu.core_type = #tpu.core_type<tc>, window_params = [{transform_indices = @transform_0, window_bounds = array<i64: 512, 256>}, {transform_indices = @transform_1, window_bounds = array<i64: 1, 1, 512>}, {transform_indices = @transform_2, window_bounds = array<i64: 512, 256>}]} {
    %get3A = arith.constant 0 : index
    %get3A_0 = arith.constant 0 : index
    %get3A_1 = arith.constant 0 : index
    %get3A_2 = vector.load %arg2[%get3A, %get3A_0, %get3A_1] : memref<1x1x512xf32, #tpu.memory_space<vmem>>, vector<1x1x512xf32>
    %get3A_3 = vector.shape_cast %get3A_2 : vector<1x1x512xf32> to vector<1x512xf32>
    %transpose3A = tpu.transpose %get3A_3, [1, 0] : vector<1x512xf32> -> vector<512x1xf32>
    %get3A_4 = arith.constant 0 : index
    %get3A_5 = arith.constant 0 : index
    %get3A_6 = vector.load %arg1[%get3A_4, %get3A_5] : memref<512x256xf32, #tpu.memory_space<vmem>>, vector<512x256xf32>
    %mul3A = vector.broadcast %transpose3A : vector<512x1xf32> to vector<512x256xf32>
    %mul3A_7 = arith.mulf %get3A_6, %mul3A : vector<512x256xf32>
    %swap3A = arith.constant 0 : index
    %swap3A_8 = arith.constant 0 : index
    %swap3A_9 = vector.load %arg3[%swap3A, %swap3A_8] : memref<512x256xf32, #tpu.memory_space<vmem>>, vector<512x256xf32>
    tpu.vector_store %arg3[%swap3A, %swap3A_8], %mul3A_7 {strides = array<i32>} : memref<512x256xf32, #tpu.memory_space<vmem>>, vector<512x256xf32>,
    return
  }
  func.func @transform_0(%arg0: i32) -> (i32, i32) {
    %c0_i32 = arith.constant 0 : i32
    %c0_i32_0 = arith.constant 0 : i32
    return %arg0, %c0_i32 : i32, i32
  }
  func.func @transform_1(%arg0: i32) -> (i32, i32, i32) {
    %c0_i32 = arith.constant 0 : i32
    %c0_i32_0 = arith.constant 0 : i32
    %c0_i32_1 = arith.constant 0 : i32
    return %arg0, %c0_i32, %c0_i32_0 : i32, i32, i32
  }
  func.func @transform_2(%arg0: i32) -> (i32, i32) {
    %c0_i32 = arith.constant 0 : i32
    %c0_i32_0 = arith.constant 0 : i32
    return %arg0, %c0_i32 : i32, i32
  }
}

</mosaic_0001>

<sc_bundles>
// kernel: kernel.10.cloned.1.call-start
scs
__scs_entry_jumppad:
0x0: {  	(pc) =	sbr.rel $0x88, $3  }
0x1: {  	(tag) =	ssettag $0x0;
	lr =	simm.s32 $0x1  }
0x2: {  	[smem:$0x3F9A] =	sst lr;
	_ =	strace $0xD0000000  }
0x3: {  	_ = 	snop  }
0x4: {  	_ = 	snop  }
0x5: {  	_ = 	snop  }
0x6: {  	_ = 	snop  }
0x7: {  	_ = 	snop  }
__scs_overlays_trampoline_lowered:
0x8: {  	[smem:$0x3FA9] =	sst s0  }
0x9: {  	[smem:$0x3FAA] =	sst s1  }
0xa: {  	[smem:$0x3FAB] =	sst s2  }
0xb: {  	[smem:$0x3FAC] =	sst s3  }
0xc: {  	[smem:$0x3FAD] =	sst s4  }
0xd: {  	[smem:$0x3FAE] =	sst s5  }
0xe: {  	[smem:$0x3FAF] =	sst s6  }
0xf: {  	[smem:$0x3FB0] =	sst s7  }
0x10: {  	[smem:$0x3FB1] =	sst s8  }
0x11: {  	[smem:$0x3FB2] =	sst s9;
	s0 =	simm.s32 @!p0 $0x0  }
0x12: {  	s1 =	sld [smem:$0x3F98];
	s0 =	simm.s32 @p0 $0x1  }
0x13: {  	[smem:$0x3FB3] =	sst s0;
	s0 =	simm.s32 @!p1 $0x0  }
0x14: {  	s2 =	sld [smem:$0x3F97];
	s0 =	simm.s32 @p1 $0x1  }
0x15: {  	[smem:$0x3FB4] =	sst s0;
	s0 =	simm.s32 @!p2 $0x0  }
0x16: {  	s3 =	sld [smem:$0x3FDB];
	s0 =	simm.s32 @p2 $0x1  }
0x17: {  	s4 =	simm.s32 $0x1BF5;
	[smem:$0x3FB6] =	sst s0  }
0x18: {  	s0 =	sld [smem:$0x3F99];
	_ =	swait.ge [sflag:s4], $0x0  }
0x19: {  	s7 =	sld [smem:$0x3F9A]  }
0x1a: {  	s8 =	sadd.s32 $0xFFFFE003, lr  }
0x1b: {  	s9 =	sadd.s32 $0xFFFFFEF7, lr;
	s5 =	simm.s32 $0xFFFFFFFF;
	p2 =	slt.u32 s8, $0xFFFFF086  }
0x1c: {  	p1 =	slt.u32 s9, $0xF7A;
	s5 =	simm.s32 @!p2 $0x0  }
0x1d: {  	s5 =	simm.s32 @p1 $0x1;
	p0 =	seq.s32 s7, s2  }
0x1e: {  	s7 =	smul.u32 @!p0 $0xF7A, s2;
	p2 =	seq.s32 @!p0 s5, $0x0  }
0x1f: {  	s9 =	smul.u32 $0xF7A, s1;
	s8 =	simm.s32 @!p0 $0x1BF5;
	p2 =	por !p2, p0  }
0x20: {  	[sflag:s8] =	ssyncset.s32 @!p0 $0xFFFFF086;
	s6 =	sadd.s32 @!p0 s3, s7;
	s7 =	simm.s32 @!p0 $0x108  }
0x21: {  	s3 =	sadd.s32 s3, s9;
	s6 =	sadd.s32 @!p0 $0x88, s6;
	s7 =	simm.s32 @p2 $0x1082  }
0x22: {  	[simem:s7], [sflag:s8] =	dma.local @!p0 [hbm:s6], $0xF7A  }
0x23: {  	s9 =	sor.u32 $0xD0000000, s2;
	s6 =	simm.s32 $0x108;
	_ =	swait.ge @!p0 [sflag:s8], $0x0  }
0x24: {  	s3 =	sadd.s32 $0x88, s3;
	s6 =	simm.s32 @!p1 $0x1082;
	[sflag:s4] =	ssyncset.s32 $0xFFFFF086  }
0x25: {  	[simem:s6], [sflag:s4] =	dma.local [hbm:s3], $0xF7A  }
0x26: {  	[smem:$0x3F9A] =	sst s1;
	(tag) =	ssettag s2;
	_ =	strace s9  }
0x27: {  	s1 =	sld [smem:$0x3FAA]  }
0x28: {  	s2 =	sld [smem:$0x3FAB]  }
0x29: {  	s4 =	sld [smem:$0x3FAD]  }
0x2a: {  	p0 =	seq.s32 s5, $0x0;
	s5 =	sld [smem:$0x3FAE]  }
0x2b: {  	s6 =	sld [smem:$0x3FAF]  }
0x2c: {  	s7 =	sld [smem:$0x3FB0]  }
0x2d: {  	s3 =	simm.s32 $0x108;
	s8 =	sld [smem:$0x3FB1]  }
0x2e: {  	s3 =	simm.s32 @!p0 $0x1082;
	s9 =	sld [smem:$0x3FB2]  }
0x2f: {  	lr =	sadd.s32 s0, s3;
	s0 =	sld [smem:$0x3FA9]  }
0x30: {  	s3 =	sld [smem:$0x3FAC]  }
0x31: {  	[smem:$0x3FB5] =	sst s10  }
0x32: {  	s10 =	sld [smem:$0x3FB3];
	_ =	sdelay $0x3  }
0x33: {  	p0 =	seq.s32 s10, $0x1;
	s10 =	sld [smem:$0x3FB5];
	_ =	sdelay $0x3  }
0x34: {  	[smem:$0x3FB5] =	sst s10  }
0x35: {  	s10 =	sld [smem:$0x3FB4];
	_ =	sdelay $0x3  }
0x36: {  	p1 =	seq.s32 s10, $0x1;
	s10 =	sld [smem:$0x3FB5];
	_ =	sdelay $0x3  }
0x37: {  	[smem:$0x3FB5] =	sst s10  }
0x38: {  	s10 =	sld [smem:$0x3FB6]  }
0x39: {  	_ = 	snop;
	(pc) =	sbr.ind lr, $3  }
0x3a: {  	_ = 	snop  }
0x3b: {  	_ = 	snop  }
0x3c: {  	p2 =	seq.s32 s10, $0x1;
	s10 =	sld [smem:$0x3FB5]  }
0x3d: {  	_ =	shalt  }
0x3e: {  	_ =	shalt  }
0x3f: {  	_ =	shalt  }
0x40: {  	_ =	shalt  }
0x41: {  	_ =	shalt  }
0x42: {  	_ =	shalt  }
0x43: {  	_ =	shalt  }
0x44: {  	_ =	shalt  }
0x45: {  	_ =	shalt  }
0x46: {  	_ =	shalt  }
0x47: {  	_ =	shalt  }
0x48: {  	_ =	shalt  }
0x49: {  	_ =	shalt  }
0x4a: {  	_ =	shalt  }
0x4b: {  	_ =	shalt  }
0x4c: {  	_ =	shalt  }
0x4d: {  	_ =	shalt  }
0x4e: {  	_ =	shalt  }
0x4f: {  	_ =	shalt  }
0x50: {  	_ =	shalt  }
0x51: {  	_ =	shalt  }
0x52: {  	_ =	shalt  }
0x53: {  	_ =	shalt  }
0x54: {  	_ =	shalt  }
0x55: {  	_ =	shalt  }
0x56: {  	_ =	shalt  }
0x57: {  	_ =	shalt  }
0x58: {  	_ =	shalt  }
0x59: {  	_ =	shalt  }
0x5a: {  	_ =	shalt  }
0x5b: {  	_ =	shalt  }
0x5c: {  	_ =	shalt  }
0x5d: {  	_ =	shalt  }
0x5e: {  	_ =	shalt  }
0x5f: {  	_ =	shalt  }
0x60: {  	_ =	shalt  }
0x61: {  	_ =	shalt  }
0x62: {  	_ =	shalt  }
0x63: {  	_ =	shalt  }
0x64: {  	_ =	shalt  }
0x65: {  	_ =	shalt  }
0x66: {  	_ =	shalt  }
0x67: {  	_ =	shalt  }
0x68: {  	_ =	shalt  }
0x69: {  	_ =	shalt  }
0x6a: {  	_ =	shalt  }
0x6b: {  	_ =	shalt  }
0x6c: {  	_ =	shalt  }
0x6d: {  	_ =	shalt  }
0x6e: {  	_ =	shalt  }
0x6f: {  	_ =	shalt  }
0x70: {  	_ =	shalt  }
0x71: {  	_ =	shalt  }
0x72: {  	_ =	shalt  }
0x73: {  	_ =	shalt  }
0x74: {  	_ =	shalt  }
0x75: {  	_ =	shalt  }
0x76: {  	_ =	shalt  }
0x77: {  	_ =	shalt  }
0x78: {  	_ =	shalt  }
0x79: {  	_ =	shalt  }
0x7a: {  	_ =	shalt  }
0x7b: {  	_ =	shalt  }
0x7c: {  	_ =	shalt  }
0x7d: {  	_ =	shalt  }
0x7e: {  	_ =	shalt  }
0x7f: {  	_ =	shalt  }
0x80: {  	_ =	shalt  }
0x81: {  	_ =	shalt  }
0x82: {  	_ =	shalt  }
0x83: {  	_ =	shalt  }
0x84: {  	_ =	shalt  }
0x85: {  	_ =	shalt  }
0x86: {  	_ =	shalt  }
0x87: {  	_ =	shalt  }
.Lfunc_end0:
.L_simem_size_0:
called_computation.1_lowered:
.L_overlay_start_0:
0x88: {  	s2 =	sld [smem:$0x3FD9]  }
0x89: {  	s3 =	sld [smem:$0x3FFE];
	_ =	sdelay $0x1  }
0x8a: {  	s1 =	srdreg.scid  }
0x8b: {  	s0 =	sand.u32 $0x1, s1  }
0x8c: {  	s14 =	sshll.u32 s0, $0xA;
	s2 =	sadd.s32 s3, s2  }
0x8d: {  	s2 =	sadd.s32 s2, s14  }
0x8e: {  	[smem:$0x3FC1] =	sst s2  }
0x8f: {  	_ = 	snop  }
0x90: {  	s2 =	sld [smem:$0x3FD0];
	_ =	sdelay $0x2  }
0x91: {  	s15 =	simm.s32 $0xA;
	s4 =	simm.s32 $0x10  }
0x92: {  	[smem:s4], [sflag:s15] =	dma.local [hbm:s2], $0x1  }
0x93: {  	_ =	swait.eq [sflag:s15], $0x1  }
0x94: {  	[sflag:s15] =	ssyncset.done $0x0  }
0x95: {  	[sflag:s15] =	ssyncadd.s32 $0xFFFFFFFF  }
0x96: {  	s16 =	sld [smem:$0x10];
	(tm) =	ssettm $0x1  }
0x97: {  	s17 =	sld [smem:$0x3FFB];
	_ =	sdelay $0x3  }
0x98: {  	_ =	strace s17  }
0x99: {  	s3 =	sld [smem:$0x3FFC];
	_ =	sdelay $0x3  }
0x9a: {  	_ =	strace s3  }
0x9b: {  	s3 =	sld [smem:$0x3FFD];
	_ =	sdelay $0x3  }
0x9c: {  	_ =	strace s3  }
0x9d: {  	_ =	strace $0x8FFFFFFF  }
0x9e: {  	s18 =	sld [smem:$0x3FDB];
	_ =	sdelay $0x1  }
0x9f: {  	s19 =	simm.s32 $_scs_section_size  }
0xa0: {  	s5 =	simm.s32 $_size__tile_overlayer_lowered;
	s6 =	simm.s32 $_tile_overlayer_lowered  }
0xa1: {  	s22 =	simm.s32 $0x1BFF;
	s21 =	sshll.u32 s6, $0x1;
	s3 =	sadd.s32 s19, s18  }
0xa2: {  	s7 =	simm.s32 $0x0;
	s20 =	sshll.u32 s5, $0x1;
	s5 =	sadd.s32 s21, s3  }
0xa3: {  	[timem:s7], [sflag:s22] =	dma.local [hbm:s5], s20  }
0xa4: {  	_ =	swait.ge [sflag:s22], s20  }
0xa5: {  	s4 =	ssub.s32 $0x0, s20;
	[sflag:s22] =	ssyncset.done $0x0  }
0xa6: {  	[sflag:s22] =	ssyncadd.s32 s4;
	_ =	sdelay $0x1  }
0xa7: {  	s23 =	simm.s32 $0x1B8B  }
0xa8: {  	_ =	swait.ge [sflag:s23], $0x1  }
0xa9: {  	[sflag:s23] =	ssyncset.done $0x0  }
0xaa: {  	s25 =	simm.s32 $0x1B8E;
	s24 =	sld [smem:$0x3FFE];
	[sflag:s23] =	ssyncadd.s32 $0xFFFFFFFF  }
0xab: {  	s26 =	simm.s32 $execute0_lowered;
	[smem:$0x3FD2] =	sst s25  }
0xac: {  	s5 =	sshll.u32 s26, $0x1;
	_ =	strace $0x80000049;
	[dreg:$0x1] =	wrdreg $0xFFFFFFFF  }
0xad: {  	s28 =	simm.s32 $_size_execute0_lowered;
	s3 =	sadd.s32 s3, s5;
	[dreg:$0x0] =	wrdreg $0x0  }
0xae: {  	s5 =	sshll.u32 s28, $0x1;
	[dreg:$0x2] =	wrdreg s3  }
0xaf: {  	[dreg:$0x3] =	wrdreg s5  }
0xb0: {  	[dreg:$0x4] =	wrdreg $0xC0  }
0xb1: {  	_ =	task [dreg:s7], $0x5FFFF  }
0xb2: {  	[dreg:$0x1] =	wrdreg $0xFFFFFFFF  }
0xb3: {  	[dreg:$0x0] =	wrdreg $0x60  }
0xb4: {  	[dreg:$0x2] =	wrdreg s24  }
0xb5: {  	[dreg:$0x3] =	wrdreg s16  }
0xb6: {  	[dreg:$0x4] =	wrdreg $0x9  }
0xb7: {  	_ =	task.clear_ibuf [dreg:s7], $0x5FFFF;
	_ =	strace $0x90000049  }
0xb8: {  	s29 =	simm.s32 $0x9;
	_ =	strace $0x8000004B  }
0xb9: {  	_ =	swait.ge [sflag:s29], $0x1  }
0xba: {  	[sflag:s29] =	ssyncadd.s32 $0xFFFFFFFF  }
0xbb: {  	_ =	strace $0x9000004B  }
0xbc: {  	_ =	sfence  }
0xbd: {  	s30 =	sld [smem:$0x0];
	_ =	sdelay $0x2  }
0xbe: {  	s31 =	sshll.u32 s1, $0xD;
	s1 =	sshrl.u32 s1, $0x2  }
0xbf: {  	s3 =	sand.u32 $0x4000, s31;
	s1 =	sadd.s32 s1, s30  }
0xc0: {  	s0 =	sor.u32 s3, s0;
	s1 =	sshll.u32 s1, $0x11  }
0xc1: {  	s0 =	sor.u32 s1, s0  }
0xc2: {  	s0 =	sadd.s32 $0x8F2B, s0  }
0xc3: {  	[sflag:s0] =	ssyncadd.remote.s32 $0x1  }
0xc4: {  	_ =	sfence.sel $0xFFFF  }
0xc5: {  	[dreg:$0x0] =	wrdreg $0xFFFFFFFF;
	(pc) =	sbr.abs _section_cstart, $3  }
0xc6: {  	[dreg:$0x1] =	wrdreg $0xFFFFFFFF  }
0xc7: {  	_ =	task.clear_ibuf [dreg:s7], $0x2FFFF;
	_ =	strace $0x9FFFFFFF  }
0xc8: {  	(tm) =	ssettm $0x7FFFFFFF  }
0xc9: {  	_ =	shalt  }
tec
execute0_lowered:
.L_overlay_start_1:
0x0: {  	(tag) =	ssettag $0x1  }
0x1: {  	s0 =	rddreg [dreg:$0x0]  }
0x2: {  	s1 =	rddreg [dreg:$0x1]  }
0x3: {  	s2 =	srdreg.scid;
	s10 =	stileid.u32  }
0x4: {  	s28 =	simm.s32 $0x1500;
	s12 =	simm.s32 $0x9500;
	s16 =	simm.s32 $0x9D00  }
0x5: {  	s17 =	simm.s32 $0xA500;
	s18 =	simm.s32 $0xAD00;
	s19 =	simm.s32 $0xB500  }
0x6: {  	s29 =	simm.s32 $0x8D00;
	s30 =	simm.s32 $0xC500;
	s31 =	simm.s32 $0xCD00  }
0x7: {  	s11 =	simm.s32 $0xDD00;
	s13 =	simm.s32 $0xE500;
	s14 =	simm.s32 $0xED00  }
0x8: {  	s4 =	sand.u32 $0x1, s2;
	s2 =	simm.s32 $0x0;
	s3 =	sshll.u32 s10, $0xB  }
0x9: {  	s8 =	sadd.s32 $0x4A00, s0;
	s9 =	sadd.s32 $0x4800, s0;
	s24 =	sshll.u32 s10, $0x10  }
0xa: {  	s10 =	simm.s32 $0x8D00;
	s5 =	sshll.u32 s4, $0xA;
	[smem:$0x7FF] =	sst s2  }
0xb: {  	s20 =	ssub.s32 $0x2, s4;
	s26 =	sshll.u32 s4, $0xF;
	s4 =	simm.s32 $0xF500  }
0xc: {  	s5 =	sor.u32 s5, s3;
	_ =	strace $0x8000004A;
	[dreg:$0x3] =	wrdreg s8  }
0xd: {  	s3 =	sadd.s32 $0x11CC00, s0;
	[dreg:$0x4] =	wrdreg s9;
	s21 =	sshrl.u32 s20, $0x1  }
0xe: {  	s9 =	simm.s32 $0x8500;
	s6 =	sshrl.u32 s5, $0x3;
	s8 =	ssub.s32 s20, s21  }
0xf: {  	s22 =	sshll.u32 s5, $0x5;
	s20 =	simm.s32 $0x1;
	s21 =	simm.s32 $0x3  }
0x10: {  	s5 =	simm.s32 $0xFD00;
	s7 =	sadd.s32 s6, s0;
	s0 =	sadd.s32 $0x4C00, s0  }
0x11: {  	s1 =	sadd.s32 s1, s6;
	s25 =	smax.u32 s8, $0x1;
	s8 =	simm.s32 $0x7D00  }
0x12: {  	s6 =	simm.s32 $0x10500;
	[dreg:$0x5] =	wrdreg s1;
	s23 =	sadd.s32 $0x2200, s7  }
0x13: {  	s1 =	sadd.s32 s0, s22;
	[dreg:$0x8] =	wrdreg s25;
	s0 =	sadd.s32 s24, s0  }
0x14: {  	v2 =	vlaneseq.u32;
	s22 =	simm.s32 $0x2;
	s7 =	simm.s32 $0x7500;
	[dreg:$0x6] =	wrdreg s23  }
0x15: {  	vm0 =	vmmov $0xffff;
	v1 =	vshrl.u32 v2, $0x3;
	[dreg:$0x7] =	wrdreg s1;
	s15 =	sadd.s32 s26, s0;
	s1 =	simm.s32 $0xD00  }
0x16: {  	v0 =	vand.u32 $0x7, v2;
	v2 =	vor.u32 $0x8, v2;
	v1 =	vmul.u32 $0x8, v1;
	s23 =	simm.s32 $0x4;
	s0 =	simm.s32 $0x0;
	[dreg:$0x9] =	wrdreg s15  }
.LBB2_1:
0x17: {  	s24 =	rddreg [dreg:$0x3];
	s25 =	simm.s32 $0xC00  }
0x18: {  	[tilespmem:s25], [sflag:$0x5] =	stream.linear.gather [hbm4b:s24+s2], $0x80, $0x38;
	[tilespmem:$0x10D00] =	vst v63  }
0x19: {  	[dreg:$0xa] =	wrdreg s0;
	s25 =	simm.s32 $0x5  }
0x1a: {  	_ =	swait.ge [sflag:s25], $0x80  }
0x1b: {  	[sflag:s25] =	ssyncset.done $0x0  }
0x1c: {  	s26 =	simm.s32 $0xC80;
	s15 =	rddreg [dreg:$0x4];
	[sflag:s25] =	ssyncadd.s32 $0xFFFFFF80  }
0x1d: {  	[tilespmem:s26], [sflag:$0x5] =	stream.linear.gather [hbm4b:s15+s2], $0x80, $0x38;
	[tilespmem:$0x10D00] =	vst v63  }
0x1e: {  	_ =	swait.ge [sflag:s25], $0x80  }
0x1f: {  	[sflag:s25] =	ssyncset.done $0x0  }
0x20: {  	s26 =	rddreg [dreg:$0x5];
	[sflag:s25] =	ssyncadd.s32 $0xFFFFFF80  }
0x21: {  	[tilespmem:s2], [sflag:$0x5] =	stream.linear.gather [hbm4b:s26+s2], $0x400, $0x38;
	[tilespmem:$0x10D00] =	vst v63  }
0x22: {  	_ =	swait.ge [sflag:s25], $0x400  }
0x23: {  	[sflag:s25] =	ssyncset.done $0x0  }
0x24: {  	s15 =	simm.s32 $0x400;
	s0 =	rddreg [dreg:$0x6];
	[sflag:s25] =	ssyncadd.s32 $0xFFFFFC00  }
0x25: {  	[tilespmem:s15], [sflag:$0x5] =	stream.linear.gather [hbm4b:s0+s2], $0x400, $0x38;
	[tilespmem:$0x10D00] =	vst v63  }
0x26: {  	_ =	swait.ge [sflag:s25], $0x400  }
0x27: {  	[sflag:s25] =	ssyncset.done $0x0  }
0x28: {  	s24 =	simm.s32 $0x0;
	[sflag:s25] =	ssyncadd.s32 $0xFFFFFC00  }
0x29: {  	v3 =	vld [tilespmem:s24+$0x400]  }
0x2a: {  	v4 =	vld [tilespmem:s24+$0x0]  }
0x2b: {  	v5 =	vld [tilespmem:$0xC00]  }
0x2c: {  	v6 =	vld [tilespmem:$0xC80];
	_ =	sdelay $0x2  }
0x2d: {  	vm1 =	veq.s32 v4, $0x1  }
0x2e: {  	v5 =	vnsel vm1, $0x0, v5;
	vm1 =	veq.s32 v4, $0x2  }
0x2f: {  	v3 =	vadd.s32 v3, v5;
	v4 =	vnsel vm1, $0x0, v6  }
0x30: {  	v3 =	vadd.s32 v4, v3;
	v4 =	vld [tilespmem:s24+$0x410]  }
0x31: {  	[tilespmem:s24+$0x800] =	vst v3;
	v3 =	vld [tilespmem:s24+$0x10]  }
0x32: {  	v5 =	vld [tilespmem:$0xC00]  }
0x33: {  	v6 =	vld [tilespmem:$0xC80];
	_ =	sdelay $0x2  }
0x34: {  	vm1 =	veq.s32 v3, $0x1  }
0x35: {  	v5 =	vnsel vm1, $0x0, v5;
	vm1 =	veq.s32 v3, $0x2  }
0x36: {  	v3 =	vadd.s32 v4, v5;
	v4 =	vnsel vm1, $0x0, v6  }
0x37: {  	v3 =	vadd.s32 v4, v3;
	v4 =	vld [tilespmem:s24+$0x420]  }
0x38: {  	[tilespmem:s24+$0x810] =	vst v3;
	v3 =	vld [tilespmem:s24+$0x20]  }
0x39: {  	v5 =	vld [tilespmem:$0xC00]  }
0x3a: {  	v6 =	vld [tilespmem:$0xC80];
	_ =	sdelay $0x2  }
0x3b: {  	vm1 =	veq.s32 v3, $0x1  }
0x3c: {  	v5 =	vnsel vm1, $0x0, v5;
	vm1 =	veq.s32 v3, $0x2  }
0x3d: {  	v3 =	vadd.s32 v4, v5;
	v4 =	vnsel vm1, $0x0, v6  }
0x3e: {  	v3 =	vadd.s32 v4, v3;
	v4 =	vld [tilespmem:s24+$0x430]  }
0x3f: {  	[tilespmem:s24+$0x820] =	vst v3;
	v3 =	vld [tilespmem:s24+$0x30]  }
0x40: {  	v5 =	vld [tilespmem:$0xC00]  }
0x41: {  	v6 =	vld [tilespmem:$0xC80];
	_ =	sdelay $0x2  }
0x42: {  	vm1 =	veq.s32 v3, $0x1  }
0x43: {  	v5 =	vnsel vm1, $0x0, v5;
	vm1 =	veq.s32 v3, $0x2  }
0x44: {  	v3 =	vadd.s32 v4, v5;
	v4 =	vnsel vm1, $0x0, v6  }
0x45: {  	v3 =	vadd.s32 v4, v3;
	v4 =	vld [tilespmem:s24+$0x440]  }
0x46: {  	[tilespmem:s24+$0x830] =	vst v3;
	v3 =	vld [tilespmem:s24+$0x40]  }
0x47: {  	v5 =	vld [tilespmem:$0xC00]  }
0x48: {  	v6 =	vld [tilespmem:$0xC80];
	_ =	sdelay $0x2  }
0x49: {  	vm1 =	veq.s32 v3, $0x1  }
0x4a: {  	v5 =	vnsel vm1, $0x0, v5;
	vm1 =	veq.s32 v3, $0x2  }
0x4b: {  	v3 =	vadd.s32 v4, v5;
	v4 =	vnsel vm1, $0x0, v6  }
0x4c: {  	v3 =	vadd.s32 v4, v3;
	v4 =	vld [tilespmem:s24+$0x450]  }
0x4d: {  	[tilespmem:s24+$0x840] =	vst v3;
	v3 =	vld [tilespmem:s24+$0x50]  }
0x4e: {  	v5 =	vld [tilespmem:$0xC00]  }
0x4f: {  	v6 =	vld [tilespmem:$0xC80];
	_ =	sdelay $0x2  }
0x50: {  	vm1 =	veq.s32 v3, $0x1  }
0x51: {  	v5 =	vnsel vm1, $0x0, v5;
	vm1 =	veq.s32 v3, $0x2  }
0x52: {  	v3 =	vadd.s32 v4, v5;
	v4 =	vnsel vm1, $0x0, v6  }
0x53: {  	v3 =	vadd.s32 v4, v3;
	v4 =	vld [tilespmem:s24+$0x460]  }
0x54: {  	[tilespmem:s24+$0x850] =	vst v3;
	v3 =	vld [tilespmem:s24+$0x60]  }
0x55: {  	v5 =	vld [tilespmem:$0xC00]  }
0x56: {  	v6 =	vld [tilespmem:$0xC80];
	_ =	sdelay $0x2  }
0x57: {  	vm1 =	veq.s32 v3, $0x1  }
0x58: {  	v5 =	vnsel vm1, $0x0, v5;
	vm1 =	veq.s32 v3, $0x2  }
0x59: {  	v3 =	vadd.s32 v4, v5;
	v4 =	vnsel vm1, $0x0, v6  }
0x5a: {  	v3 =	vadd.s32 v4, v3;
	v4 =	vld [tilespmem:s24+$0x470]  }
0x5b: {  	[tilespmem:s24+$0x860] =	vst v3;
	v3 =	vld [tilespmem:s24+$0x70]  }
0x5c: {  	v5 =	vld [tilespmem:$0xC00]  }
0x5d: {  	v6 =	vld [tilespmem:$0xC80];
	_ =	sdelay $0x2  }
0x5e: {  	vm1 =	veq.s32 v3, $0x1  }
0x5f: {  	v5 =	vnsel vm1, $0x0, v5;
	vm1 =	veq.s32 v3, $0x2  }
0x60: {  	s26 =	simm.s32 $0x80;
	v4 =	vadd.s32 v4, v5;
	v5 =	vnsel vm1, $0x0, v6  }
0x61: {  	s25 =	simm.s32 $0x400;
	v3 =	vld [tilespmem:s26+$0x400];
	v4 =	vadd.s32 v5, v4  }
.LBB2_2:
0x62: {  	p0 =	sne.s32 s25, $0xE00;
	v5 =	vld [tilespmem:s26+$0x0];
	[tilespmem:s24+$0x870] =	vst v4;
	s24 =	smov.u32 s26  }
0x63: {  	v4 =	vld [tilespmem:$0xC00]  }
0x64: {  	v6 =	vld [tilespmem:$0xC80];
	_ =	sdelay $0x2  }
0x65: {  	vm1 =	veq.s32 v5, $0x1  }
0x66: {  	v4 =	vnsel vm1, $0x0, v4;
	vm1 =	veq.s32 v5, $0x2  }
0x67: {  	v3 =	vadd.s32 v3, v4;
	v4 =	vnsel vm1, $0x0, v6  }
0x68: {  	v3 =	vadd.s32 v4, v3;
	v4 =	vld [tilespmem:s24+$0x410]  }
0x69: {  	[tilespmem:s24+$0x800] =	vst v3;
	v3 =	vld [tilespmem:s24+$0x10]  }
0x6a: {  	v5 =	vld [tilespmem:$0xC00]  }
0x6b: {  	v6 =	vld [tilespmem:$0xC80];
	_ =	sdelay $0x2  }
0x6c: {  	vm1 =	veq.s32 v3, $0x1  }
0x6d: {  	v5 =	vnsel vm1, $0x0, v5;
	vm1 =	veq.s32 v3, $0x2  }
0x6e: {  	v3 =	vadd.s32 v4, v5;
	v4 =	vnsel vm1, $0x0, v6  }
0x6f: {  	v3 =	vadd.s32 v4, v3;
	v4 =	vld [tilespmem:s24+$0x420]  }
0x70: {  	[tilespmem:s24+$0x810] =	vst v3;
	v3 =	vld [tilespmem:s24+$0x20]  }
0x71: {  	v5 =	vld [tilespmem:$0xC00]  }
0x72: {  	v6 =	vld [tilespmem:$0xC80];
	_ =	sdelay $0x2  }
0x73: {  	vm1 =	veq.s32 v3, $0x1  }
0x74: {  	v5 =	vnsel vm1, $0x0, v5;
	vm1 =	veq.s32 v3, $0x2  }
0x75: {  	v3 =	vadd.s32 v4, v5;
	v4 =	vnsel vm1, $0x0, v6  }
0x76: {  	v3 =	vadd.s32 v4, v3;
	v4 =	vld [tilespmem:s24+$0x430]  }
0x77: {  	[tilespmem:s24+$0x820] =	vst v3;
	v3 =	vld [tilespmem:s24+$0x30]  }
0x78: {  	v5 =	vld [tilespmem:$0xC00]  }
0x79: {  	v6 =	vld [tilespmem:$0xC80];
	_ =	sdelay $0x2  }
0x7a: {  	vm1 =	veq.s32 v3, $0x1  }
0x7b: {  	v5 =	vnsel vm1, $0x0, v5;
	vm1 =	veq.s32 v3, $0x2  }
0x7c: {  	v3 =	vadd.s32 v4, v5;
	v4 =	vnsel vm1, $0x0, v6  }
0x7d: {  	v3 =	vadd.s32 v4, v3;
	v4 =	vld [tilespmem:s24+$0x440]  }
0x7e: {  	[tilespmem:s24+$0x830] =	vst v3;
	v3 =	vld [tilespmem:s24+$0x40]  }
0x7f: {  	v5 =	vld [tilespmem:$0xC00]  }
0x80: {  	v6 =	vld [tilespmem:$0xC80];
	_ =	sdelay $0x2  }
0x81: {  	vm1 =	veq.s32 v3, $0x1  }
0x82: {  	v5 =	vnsel vm1, $0x0, v5;
	vm1 =	veq.s32 v3, $0x2  }
0x83: {  	v3 =	vadd.s32 v4, v5;
	v4 =	vnsel vm1, $0x0, v6  }
0x84: {  	v3 =	vadd.s32 v4, v3;
	v4 =	vld [tilespmem:s24+$0x450]  }
0x85: {  	[tilespmem:s24+$0x840] =	vst v3;
	v3 =	vld [tilespmem:s24+$0x50]  }
0x86: {  	v5 =	vld [tilespmem:$0xC00]  }
0x87: {  	v6 =	vld [tilespmem:$0xC80];
	_ =	sdelay $0x2  }
0x88: {  	vm1 =	veq.s32 v3, $0x1  }
0x89: {  	v5 =	vnsel vm1, $0x0, v5;
	vm1 =	veq.s32 v3, $0x2  }
0x8a: {  	v3 =	vadd.s32 v4, v5;
	v4 =	vnsel vm1, $0x0, v6  }
0x8b: {  	v3 =	vadd.s32 v4, v3;
	v4 =	vld [tilespmem:s24+$0x460]  }
0x8c: {  	[tilespmem:s24+$0x850] =	vst v3;
	v3 =	vld [tilespmem:s24+$0x60]  }
0x8d: {  	v5 =	vld [tilespmem:$0xC00]  }
0x8e: {  	v6 =	vld [tilespmem:$0xC80];
	_ =	sdelay $0x2  }
0x8f: {  	vm1 =	veq.s32 v3, $0x1  }
0x90: {  	v5 =	vnsel vm1, $0x0, v5;
	vm1 =	veq.s32 v3, $0x2  }
0x91: {  	v3 =	vadd.s32 v4, v5;
	v4 =	vnsel vm1, $0x0, v6  }
0x92: {  	v3 =	vadd.s32 v4, v3;
	v4 =	vld [tilespmem:s24+$0x470]  }
0x93: {  	[tilespmem:s24+$0x860] =	vst v3;
	v3 =	vld [tilespmem:s24+$0x70]  }
0x94: {  	v5 =	vld [tilespmem:$0xC00]  }
0x95: {  	v6 =	vld [tilespmem:$0xC80];
	_ =	sdelay $0x1  }
.Ltmp0:
0x96: {  	(pc) =	sbr.rel @p0 .LBB2_2-.Ltmp0, $4  }
0x97: {  	vm1 =	veq.s32 v3, $0x1  }
0x98: {  	v5 =	vnsel vm1, $0x0, v5;
	vm1 =	veq.s32 v3, $0x2  }
0x99: {  	s26 =	sshra.s32 s25, $0x2;
	v4 =	vadd.s32 v4, v5;
	v5 =	vnsel vm1, $0x0, v6  }
0x9a: {  	s25 =	sadd.s32 $0x200, s25;
	v3 =	vld [tilespmem:s26+$0x400];
	v4 =	vadd.s32 v5, v4  }
0x9b: {  	v5 =	vld [tilespmem:s26+$0x0];
	[tilespmem:s24+$0x870] =	vst v4  }
0x9c: {  	v4 =	vld [tilespmem:$0xC00]  }
0x9d: {  	v6 =	vld [tilespmem:$0xC80];
	_ =	sdelay $0x2  }
0x9e: {  	vm1 =	veq.s32 v5, $0x1  }
0x9f: {  	v4 =	vnsel vm1, $0x0, v4;
	vm1 =	veq.s32 v5, $0x2  }
0xa0: {  	v3 =	vadd.s32 v3, v4;
	v21 =	vnsel vm1, $0x0, v6  }
0xa1: {  	v22 =	vld [tilespmem:s26+$0x410];
	v3 =	vadd.s32 v21, v3  }
0xa2: {  	[tilespmem:s26+$0x800] =	vst v3;
	v3 =	vld [tilespmem:s26+$0x10]  }
0xa3: {  	v23 =	vld [tilespmem:$0xC00]  }
0xa4: {  	v24 =	vld [tilespmem:$0xC80];
	_ =	sdelay $0x2  }
0xa5: {  	vm1 =	veq.s32 v3, $0x1  }
0xa6: {  	v5 =	vnsel vm1, $0x0, v23;
	vm1 =	veq.s32 v3, $0x2  }
0xa7: {  	v3 =	vadd.s32 v22, v5;
	v25 =	vnsel vm1, $0x0, v24  }
0xa8: {  	v26 =	vld [tilespmem:s26+$0x420];
	v3 =	vadd.s32 v25, v3  }
0xa9: {  	[tilespmem:s26+$0x810] =	vst v3;
	v3 =	vld [tilespmem:s26+$0x20]  }
0xaa: {  	v27 =	vld [tilespmem:$0xC00]  }
0xab: {  	v28 =	vld [tilespmem:$0xC80];
	_ =	sdelay $0x2  }
0xac: {  	vm1 =	veq.s32 v3, $0x1  }
0xad: {  	v5 =	vnsel vm1, $0x0, v27;
	vm1 =	veq.s32 v3, $0x2  }
0xae: {  	v3 =	vadd.s32 v26, v5;
	v29 =	vnsel vm1, $0x0, v28  }
0xaf: {  	v30 =	vld [tilespmem:s26+$0x430];
	v3 =	vadd.s32 v29, v3  }
0xb0: {  	[tilespmem:s26+$0x820] =	vst v3;
	v3 =	vld [tilespmem:s26+$0x30]  }
0xb1: {  	v31 =	vld [tilespmem:$0xC00]  }
0xb2: {  	v32 =	vld [tilespmem:$0xC80];
	_ =	sdelay $0x2  }
0xb3: {  	vm1 =	veq.s32 v3, $0x1  }
0xb4: {  	v5 =	vnsel vm1, $0x0, v31;
	vm1 =	veq.s32 v3, $0x2  }
0xb5: {  	v3 =	vadd.s32 v30, v5;
	v33 =	vnsel vm1, $0x0, v32  }
0xb6: {  	v34 =	vld [tilespmem:s26+$0x440];
	v3 =	vadd.s32 v33, v3  }
0xb7: {  	[tilespmem:s26+$0x830] =	vst v3;
	v3 =	vld [tilespmem:s26+$0x40]  }
0xb8: {  	v35 =	vld [tilespmem:$0xC00]  }
0xb9: {  	v36 =	vld [tilespmem:$0xC80];
	_ =	sdelay $0x2  }
0xba: {  	vm1 =	veq.s32 v3, $0x1  }
0xbb: {  	v5 =	vnsel vm1, $0x0, v35;
	vm1 =	veq.s32 v3, $0x2  }
0xbc: {  	v3 =	vadd.s32 v34, v5;
	v37 =	vnsel vm1, $0x0, v36  }
0xbd: {  	v38 =	vld [tilespmem:s26+$0x450];
	v3 =	vadd.s32 v37, v3  }
0xbe: {  	[tilespmem:s26+$0x840] =	vst v3;
	v3 =	vld [tilespmem:s26+$0x50]  }
0xbf: {  	v39 =	vld [tilespmem:$0xC00]  }
0xc0: {  	v40 =	vld [tilespmem:$0xC80];
	_ =	sdelay $0x2  }
0xc1: {  	vm1 =	veq.s32 v3, $0x1  }
0xc2: {  	v5 =	vnsel vm1, $0x0, v39;
	vm1 =	veq.s32 v3, $0x2  }
0xc3: {  	v3 =	vadd.s32 v38, v5;
	v41 =	vnsel vm1, $0x0, v40  }
0xc4: {  	v42 =	vld [tilespmem:s26+$0x460];
	v3 =	vadd.s32 v41, v3  }
0xc5: {  	[tilespmem:s26+$0x850] =	vst v3;
	v3 =	vld [tilespmem:s26+$0x60]  }
0xc6: {  	v43 =	vld [tilespmem:$0xC00]  }
0xc7: {  	v44 =	vld [tilespmem:$0xC80];
	_ =	sdelay $0x2  }
0xc8: {  	vm1 =	veq.s32 v3, $0x1  }
0xc9: {  	v5 =	vnsel vm1, $0x0, v43;
	vm1 =	veq.s32 v3, $0x2  }
0xca: {  	v3 =	vadd.s32 v42, v5;
	v45 =	vnsel vm1, $0x0, v44  }
0xcb: {  	v3 =	vadd.s32 v45, v3  }
0xcc: {  	[tilespmem:s26+$0x860] =	vst v3  }
0xcd: {  	v3 =	vld [tilespmem:$0x800];
	_ =	sdelay $0x3  }
0xce: {  	v46 =	vld [tilespmem:s26+$0x470]  }
0xcf: {  	v47 =	vld [tilespmem:s26+$0x70];
	v48 =	vshll.u32 v3, $0x1  }
0xd0: {  	v7 =	vld [tilespmem:$0xC00];
	v3 =	vand.u32 $0x7, v3;
	v6 =	vand.u32 $0xFFFFFFF0, v48  }
0xd1: {  	v8 =	vld [tilespmem:$0xC80];
	v3 =	vor.u32 v3, v6  }
0xd2: {  	v6 =	vperm.xlane v3, v0;
	_ =	sdelay $0x1  }
0xd3: {  	vm1 =	veq.s32 v47, $0x1;
	v3 =	vperm.xlane v3, v2;
	v6 =	vadd.s32 v1, v6  }
0xd4: {  	v7 =	vnsel vm1, $0x0, v7;
	vm1 =	veq.s32 v47, $0x2  }
0xd5: {  	v4 =	vadd.s32 v46, v7;
	v5 =	vnsel vm1, $0x0, v8;
	v3 =	vadd.s32 v1, v3  }
0xd6: {  	v4 =	vadd.s32 v5, v4  }
0xd7: {  	[tilespmem:s26+$0x870] =	vst v4  }
0xd8: {  	[tilespmem:s1], [sflag:$0x1] =	stream.indirect_vreg.gather [hbm4b:s3+s2], $0x80, v6, vm0, $0xb8;
	[tilespmem:$0x10D00] =	vst v63  }
0xd9: {  	_ = 	snop  }
0xda: {  	[tilespmem:s28], [sflag:$0x1] =	stream.indirect_vreg.gather [hbm4b:s3+s2], $0x80, v3, vm0, $0xb8;
	[tilespmem:$0x10D00] =	vst v63  }
0xdb: {  	v3 =	vld [tilespmem:$0x810];
	_ =	sdelay $0x4  }
0xdc: {  	v49 =	vshll.u32 v3, $0x1  }
0xdd: {  	v3 =	vand.u32 $0x7, v3;
	v4 =	vand.u32 $0xFFFFFFF0, v49  }
0xde: {  	v3 =	vor.u32 v3, v4  }
0xdf: {  	v4 =	vperm.xlane v3, v0;
	_ =	sdelay $0x1  }
0xe0: {  	v3 =	vperm.xlane v3, v2;
	v4 =	vadd.s32 v1, v4;
	_ =	sdelay $0x1  }
0xe1: {  	v3 =	vadd.s32 v1, v3;
	_ =	sdelay $0x1  }
0xe2: {  	s26 =	simm.s32 $0x1D00  }
0xe3: {  	[tilespmem:s26], [sflag:$0x1] =	stream.indirect_vreg.gather [hbm4b:s3+s2], $0x80, v4, vm0, $0xb8;
	[tilespmem:$0x10D00] =	vst v63  }
0xe4: {  	s0 =	simm.s32 $0x2500  }
0xe5: {  	[tilespmem:s0], [sflag:$0x1] =	stream.indirect_vreg.gather [hbm4b:s3+s2], $0x80, v3, vm0, $0xb8;
	[tilespmem:$0x10D00] =	vst v63  }
0xe6: {  	v3 =	vld [tilespmem:$0x820];
	_ =	sdelay $0x4  }
0xe7: {  	v50 =	vshll.u32 v3, $0x1  }
0xe8: {  	v3 =	vand.u32 $0x7, v3;
	v4 =	vand.u32 $0xFFFFFFF0, v50  }
0xe9: {  	v3 =	vor.u32 v3, v4  }
0xea: {  	v4 =	vperm.xlane v3, v0;
	_ =	sdelay $0x1  }
0xeb: {  	v3 =	vperm.xlane v3, v2;
	v4 =	vadd.s32 v1, v4;
	_ =	sdelay $0x1  }
0xec: {  	v3 =	vadd.s32 v1, v3;
	_ =	sdelay $0x1  }
0xed: {  	s1 =	simm.s32 $0x2D00  }
0xee: {  	[tilespmem:s1], [sflag:$0x1] =	stream.indirect_vreg.gather [hbm4b:s3+s2], $0x80, v4, vm0, $0xb8;
	[tilespmem:$0x10D00] =	vst v63  }
0xef: {  	s15 =	simm.s32 $0x3500  }
0xf0: {  	[tilespmem:s15], [sflag:$0x1] =	stream.indirect_vreg.gather [hbm4b:s3+s2], $0x80, v3, vm0, $0xb8;
	[tilespmem:$0x10D00] =	vst v63  }
0xf1: {  	v3 =	vld [tilespmem:$0x830];
	_ =	sdelay $0x4  }
0xf2: {  	v51 =	vshll.u32 v3, $0x1  }
0xf3: {  	v3 =	vand.u32 $0x7, v3;
	v4 =	vand.u32 $0xFFFFFFF0, v51  }
0xf4: {  	v3 =	vor.u32 v3, v4  }
0xf5: {  	v4 =	vperm.xlane v3, v0;
	_ =	sdelay $0x1  }
0xf6: {  	v3 =	vperm.xlane v3, v2;
	v4 =	vadd.s32 v1, v4;
	_ =	sdelay $0x1  }
0xf7: {  	v3 =	vadd.s32 v1, v3;
	_ =	sdelay $0x1  }
0xf8: {  	s24 =	simm.s32 $0x3D00  }
0xf9: {  	[tilespmem:s24], [sflag:$0x1] =	stream.indirect_vreg.gather [hbm4b:s3+s2], $0x80, v4, vm0, $0xb8;
	[tilespmem:$0x10D00] =	vst v63  }
0xfa: {  	s25 =	simm.s32 $0x4500  }
0xfb: {  	[tilespmem:s25], [sflag:$0x1] =	stream.indirect_vreg.gather [hbm4b:s3+s2], $0x80, v3, vm0, $0xb8;
	[tilespmem:$0x10D00] =	vst v63  }
0xfc: {  	v3 =	vld [tilespmem:$0x840];
	_ =	sdelay $0x4  }
0xfd: {  	v52 =	vshll.u32 v3, $0x1  }
0xfe: {  	v3 =	vand.u32 $0x7, v3;
	v4 =	vand.u32 $0xFFFFFFF0, v52  }
0xff: {  	v3 =	vor.u32 v3, v4  }
0x100: {  	v4 =	vperm.xlane v3, v0;
	_ =	sdelay $0x1  }
0x101: {  	v3 =	vperm.xlane v3, v2;
	v4 =	vadd.s32 v1, v4;
	_ =	sdelay $0x1  }
0x102: {  	v3 =	vadd.s32 v1, v3;
	_ =	sdelay $0x1  }
0x103: {  	s15 =	simm.s32 $0x4D00  }
0x104: {  	[tilespmem:s15], [sflag:$0x1] =	stream.indirect_vreg.gather [hbm4b:s3+s2], $0x80, v4, vm0, $0xb8;
	[tilespmem:$0x10D00] =	vst v63  }
0x105: {  	s24 =	simm.s32 $0x5500  }
0x106: {  	[tilespmem:s24], [sflag:$0x1] =	stream.indirect_vreg.gather [hbm4b:s3+s2], $0x80, v3, vm0, $0xb8;
	[tilespmem:$0x10D00] =	vst v63  }
0x107: {  	v3 =	vld [tilespmem:$0x850];
	_ =	sdelay $0x4  }
0x108: {  	v53 =	vshll.u32 v3, $0x1  }
0x109: {  	v3 =	vand.u32 $0x7, v3;
	v4 =	vand.u32 $0xFFFFFFF0, v53  }
0x10a: {  	v3 =	vor.u32 v3, v4  }
0x10b: {  	v4 =	vperm.xlane v3, v0;
	_ =	sdelay $0x1  }
0x10c: {  	v3 =	vperm.xlane v3, v2;
	v4 =	vadd.s32 v1, v4;
	_ =	sdelay $0x1  }
0x10d: {  	v3 =	vadd.s32 v1, v3;
	_ =	sdelay $0x1  }
0x10e: {  	s25 =	simm.s32 $0x5D00  }
0x10f: {  	[tilespmem:s25], [sflag:$0x1] =	stream.indirect_vreg.gather [hbm4b:s3+s2], $0x80, v4, vm0, $0xb8;
	[tilespmem:$0x10D00] =	vst v63  }
0x110: {  	s15 =	simm.s32 $0x6500  }
0x111: {  	[tilespmem:s15], [sflag:$0x1] =	stream.indirect_vreg.gather [hbm4b:s3+s2], $0x80, v3, vm0, $0xb8;
	[tilespmem:$0x10D00] =	vst v63  }
0x112: {  	v3 =	vld [tilespmem:$0x860];
	_ =	sdelay $0x4  }
0x113: {  	v54 =	vshll.u32 v3, $0x1  }
0x114: {  	v3 =	vand.u32 $0x7, v3;
	v4 =	vand.u32 $0xFFFFFFF0, v54  }
0x115: {  	v3 =	vor.u32 v3, v4  }
0x116: {  	v4 =	vperm.xlane v3, v0;
	_ =	sdelay $0x1  }
0x117: {  	v3 =	vperm.xlane v3, v2;
	v4 =	vadd.s32 v1, v4;
	_ =	sdelay $0x1  }
0x118: {  	v3 =	vadd.s32 v1, v3;
	_ =	sdelay $0x1  }
0x119: {  	s24 =	simm.s32 $0x6D00  }
0x11a: {  	[tilespmem:s24], [sflag:$0x1] =	stream.indirect_vreg.gather [hbm4b:s3+s2], $0x80, v4, vm0, $0xb8;
	[tilespmem:$0x10D00] =	vst v63  }
0x11b: {  	_ = 	snop  }
0x11c: {  	[tilespmem:s7], [sflag:$0x1] =	stream.indirect_vreg.gather [hbm4b:s3+s2], $0x80, v3, vm0, $0xb8;
	[tilespmem:$0x10D00] =	vst v63  }
0x11d: {  	v3 =	vld [tilespmem:$0x870];
	_ =	sdelay $0x4  }
0x11e: {  	v55 =	vshll.u32 v3, $0x1  }
0x11f: {  	v3 =	vand.u32 $0x7, v3;
	v4 =	vand.u32 $0xFFFFFFF0, v55  }
0x120: {  	v3 =	vor.u32 v3, v4  }
0x121: {  	v4 =	vperm.xlane v3, v0;
	_ =	sdelay $0x1  }
0x122: {  	v3 =	vperm.xlane v3, v2;
	v4 =	vadd.s32 v1, v4;
	_ =	sdelay $0x1  }
0x123: {  	v3 =	vadd.s32 v1, v3;
	_ =	sdelay $0x2  }
0x124: {  	[tilespmem:s8], [sflag:$0x1] =	stream.indirect_vreg.gather [hbm4b:s3+s2], $0x80, v4, vm0, $0xb8;
	[tilespmem:$0x10D00] =	vst v63  }
0x125: {  	_ = 	snop  }
0x126: {  	[tilespmem:s9], [sflag:$0x1] =	stream.indirect_vreg.gather [hbm4b:s3+s2], $0x80, v3, vm0, $0xb8;
	[tilespmem:$0x10D00] =	vst v63  }
0x127: {  	v3 =	vld [tilespmem:$0x880];
	_ =	sdelay $0x4  }
0x128: {  	v56 =	vshll.u32 v3, $0x1  }
0x129: {  	v3 =	vand.u32 $0x7, v3;
	v4 =	vand.u32 $0xFFFFFFF0, v56  }
0x12a: {  	v3 =	vor.u32 v3, v4  }
0x12b: {  	v4 =	vperm.xlane v3, v0;
	_ =	sdelay $0x1  }
0x12c: {  	v3 =	vperm.xlane v3, v2;
	v4 =	vadd.s32 v1, v4;
	_ =	sdelay $0x1  }
0x12d: {  	v3 =	vadd.s32 v1, v3;
	_ =	sdelay $0x2  }
0x12e: {  	[tilespmem:s10], [sflag:$0x2] =	stream.indirect_vreg.gather [hbm4b:s3+s2], $0x80, v4, vm0, $0xb8;
	[tilespmem:$0x10D00] =	vst v63  }
0x12f: {  	_ = 	snop  }
0x130: {  	[tilespmem:s12], [sflag:$0x2] =	stream.indirect_vreg.gather [hbm4b:s3+s2], $0x80, v3, vm0, $0xb8;
	[tilespmem:$0x10D00] =	vst v63  }
0x131: {  	v3 =	vld [tilespmem:$0x890];
	_ =	sdelay $0x4  }
0x132: {  	v57 =	vshll.u32 v3, $0x1  }
0x133: {  	v3 =	vand.u32 $0x7, v3;
	v4 =	vand.u32 $0xFFFFFFF0, v57  }
0x134: {  	v3 =	vor.u32 v3, v4  }
0x135: {  	v4 =	vperm.xlane v3, v0;
	_ =	sdelay $0x1  }
0x136: {  	v3 =	vperm.xlane v3, v2;
	v4 =	vadd.s32 v1, v4;
	_ =	sdelay $0x1  }
0x137: {  	v3 =	vadd.s32 v1, v3;
	_ =	sdelay $0x2  }
0x138: {  	[tilespmem:s16], [sflag:$0x2] =	stream.indirect_vreg.gather [hbm4b:s3+s2], $0x80, v4, vm0, $0xb8;
	[tilespmem:$0x10D00] =	vst v63  }
0x139: {  	_ = 	snop  }
0x13a: {  	[tilespmem:s17], [sflag:$0x2] =	stream.indirect_vreg.gather [hbm4b:s3+s2], $0x80, v3, vm0, $0xb8;
	[tilespmem:$0x10D00] =	vst v63  }
0x13b: {  	v3 =	vld [tilespmem:$0x8A0];
	_ =	sdelay $0x4  }
0x13c: {  	v58 =	vshll.u32 v3, $0x1  }
0x13d: {  	v3 =	vand.u32 $0x7, v3;
	v4 =	vand.u32 $0xFFFFFFF0, v58  }
0x13e: {  	v3 =	vor.u32 v3, v4  }
0x13f: {  	v4 =	vperm.xlane v3, v0;
	_ =	sdelay $0x1  }
0x140: {  	v3 =	vperm.xlane v3, v2;
	v4 =	vadd.s32 v1, v4;
	_ =	sdelay $0x1  }
0x141: {  	v3 =	vadd.s32 v1, v3;
	_ =	sdelay $0x2  }
0x142: {  	[tilespmem:s18], [sflag:$0x2] =	stream.indirect_vreg.gather [hbm4b:s3+s2], $0x80, v4, vm0, $0xb8;
	[tilespmem:$0x10D00] =	vst v63  }
0x143: {  	_ = 	snop  }
0x144: {  	[tilespmem:s19], [sflag:$0x2] =	stream.indirect_vreg.gather [hbm4b:s3+s2], $0x80, v3, vm0, $0xb8;
	[tilespmem:$0x10D00] =	vst v63  }
0x145: {  	v3 =	vld [tilespmem:$0x8B0];
	_ =	sdelay $0x4  }
0x146: {  	v59 =	vshll.u32 v3, $0x1  }
0x147: {  	v3 =	vand.u32 $0x7, v3;
	v4 =	vand.u32 $0xFFFFFFF0, v59  }
0x148: {  	v3 =	vor.u32 v3, v4  }
0x149: {  	v4 =	vperm.xlane v3, v0;
	_ =	sdelay $0x1  }
0x14a: {  	v3 =	vperm.xlane v3, v2;
	v4 =	vadd.s32 v1, v4;
	_ =	sdelay $0x1  }
0x14b: {  	v3 =	vadd.s32 v1, v3;
	_ =	sdelay $0x1  }
0x14c: {  	s10 =	simm.s32 $0xBD00  }
0x14d: {  	[tilespmem:s10], [sflag:$0x2] =	stream.indirect_vreg.gather [hbm4b:s3+s2], $0x80, v4, vm0, $0xb8;
	[tilespmem:$0x10D00] =	vst v63  }
0x14e: {  	_ = 	snop  }
0x14f: {  	[tilespmem:s30], [sflag:$0x2] =	stream.indirect_vreg.gather [hbm4b:s3+s2], $0x80, v3, vm0, $0xb8;
	[tilespmem:$0x10D00] =	vst v63  }
0x150: {  	v3 =	vld [tilespmem:$0x8C0];
	_ =	sdelay $0x4  }
0x151: {  	v60 =	vshll.u32 v3, $0x1  }
0x152: {  	v3 =	vand.u32 $0x7, v3;
	v4 =	vand.u32 $0xFFFFFFF0, v60  }
0x153: {  	v3 =	vor.u32 v3, v4  }
0x154: {  	v4 =	vperm.xlane v3, v0;
	_ =	sdelay $0x1  }
0x155: {  	v3 =	vperm.xlane v3, v2;
	v4 =	vadd.s32 v1, v4;
	_ =	sdelay $0x1  }
0x156: {  	v3 =	vadd.s32 v1, v3;
	_ =	sdelay $0x2  }
0x157: {  	[tilespmem:s31], [sflag:$0x2] =	stream.indirect_vreg.gather [hbm4b:s3+s2], $0x80, v4, vm0, $0xb8;
	[tilespmem:$0x10D00] =	vst v63  }
0x158: {  	s1 =	simm.s32 $0xD500  }
0x159: {  	[tilespmem:s1], [sflag:$0x2] =	stream.indirect_vreg.gather [hbm4b:s3+s2], $0x80, v3, vm0, $0xb8;
	[tilespmem:$0x10D00] =	vst v63  }
0x15a: {  	v3 =	vld [tilespmem:$0x8D0];
	_ =	sdelay $0x4  }
0x15b: {  	v61 =	vshll.u32 v3, $0x1  }
0x15c: {  	v3 =	vand.u32 $0x7, v3;
	v4 =	vand.u32 $0xFFFFFFF0, v61  }
0x15d: {  	v3 =	vor.u32 v3, v4  }
0x15e: {  	v4 =	vperm.xlane v3, v0;
	_ =	sdelay $0x1  }
0x15f: {  	v3 =	vperm.xlane v3, v2;
	v4 =	vadd.s32 v1, v4;
	_ =	sdelay $0x1  }
0x160: {  	v3 =	vadd.s32 v1, v3;
	_ =	sdelay $0x2  }
0x161: {  	[tilespmem:s11], [sflag:$0x2] =	stream.indirect_vreg.gather [hbm4b:s3+s2], $0x80, v4, vm0, $0xb8;
	[tilespmem:$0x10D00] =	vst v63  }
0x162: {  	_ = 	snop  }
0x163: {  	[tilespmem:s13], [sflag:$0x2] =	stream.indirect_vreg.gather [hbm4b:s3+s2], $0x80, v3, vm0, $0xb8;
	[tilespmem:$0x10D00] =	vst v63  }
0x164: {  	v3 =	vld [tilespmem:$0x8E0];
	_ =	sdelay $0x4  }
0x165: {  	v62 =	vshll.u32 v3, $0x1  }
0x166: {  	v3 =	vand.u32 $0x7, v3;
	v4 =	vand.u32 $0xFFFFFFF0, v62  }
0x167: {  	v3 =	vor.u32 v3, v4  }
0x168: {  	v4 =	vperm.xlane v3, v0;
	_ =	sdelay $0x1  }
0x169: {  	v3 =	vperm.xlane v3, v2;
	v4 =	vadd.s32 v1, v4;
	_ =	sdelay $0x1  }
0x16a: {  	v3 =	vadd.s32 v1, v3;
	_ =	sdelay $0x2  }
0x16b: {  	[tilespmem:s14], [sflag:$0x2] =	stream.indirect_vreg.gather [hbm4b:s3+s2], $0x80, v4, vm0, $0xb8;
	[tilespmem:$0x10D00] =	vst v63  }
0x16c: {  	_ = 	snop  }
0x16d: {  	[tilespmem:s4], [sflag:$0x2] =	stream.indirect_vreg.gather [hbm4b:s3+s2], $0x80, v3, vm0, $0xb8;
	[tilespmem:$0x10D00] =	vst v63  }
0x16e: {  	v3 =	vld [tilespmem:$0x8F0];
	_ =	sdelay $0x4  }
0x16f: {  	v63 =	vshll.u32 v3, $0x1  }
0x170: {  	v3 =	vand.u32 $0x7, v3;
	v4 =	vand.u32 $0xFFFFFFF0, v63  }
0x171: {  	v3 =	vor.u32 v3, v4  }
0x172: {  	v4 =	vperm.xlane v3, v0;
	_ =	sdelay $0x1  }
0x173: {  	v3 =	vperm.xlane v3, v2;
	v4 =	vadd.s32 v1, v4;
	_ =	sdelay $0x1  }
0x174: {  	v3 =	vadd.s32 v1, v3;
	_ =	sdelay $0x2  }
0x175: {  	[tilespmem:s5], [sflag:$0x2] =	stream.indirect_vreg.gather [hbm4b:s3+s2], $0x80, v4, vm0, $0xb8;
	[tilespmem:$0x10D00] =	vst v63  }
0x176: {  	_ = 	snop  }
0x177: {  	[tilespmem:s6], [sflag:$0x2] =	stream.indirect_vreg.gather [hbm4b:s3+s2], $0x80, v3, vm0, $0xb8;
	[tilespmem:$0x10D00] =	vst v63  }
0x178: {  	_ =	swait.ge [sflag:s20], $0x8000  }
0x179: {  	[sflag:s20] =	ssyncset.done $0x0  }
0x17a: {  	s0 =	simm.s32 $0xD00;
	s25 =	rddreg [dreg:$0x7];
	[sflag:s20] =	ssyncadd.s32 $0xFFFF8000  }
0x17b: {  	[hbm4b:s25+s2] =	stream.linear.scatter [tilespmem:s0], [sflag:$0x3], $0x8000, $0x38;
	[tilespmem:$0x10D00] =	vst v63  }
0x17c: {  	s24 =	simm.s32 $0xFFFFA000;
	s15 =	rddreg [dreg:$0x9];
	s25 =	simm.s32 $0x9F0  }
.LBB2_4:
0x17d: {  	_ =	swait.ge [sflag:s21], $0x8000  }
0x17e: {  	[sflag:s21] =	ssyncset.done $0x0  }
0x17f: {  	[sflag:s21] =	ssyncadd.s32 $0xFFFF8000  }
0x180: {  	v3 =	vld [tilespmem:s25+$0xFFFFFF10];
	_ =	sdelay $0x4  }
0x181: {  	v4 =	vshll.u32 v3, $0x1  }
0x182: {  	v3 =	vand.u32 $0x7, v3;
	v4 =	vand.u32 $0xFFFFFFF0, v4  }
0x183: {  	v3 =	vor.u32 v3, v4  }
0x184: {  	v4 =	vperm.xlane v3, v0;
	_ =	sdelay $0x1  }
0x185: {  	v3 =	vperm.xlane v3, v2;
	v4 =	vadd.s32 v1, v4;
	_ =	sdelay $0x1  }
0x186: {  	v3 =	vadd.s32 v1, v3;
	_ =	sdelay $0x2  }
0x187: {  	[tilespmem:s0], [sflag:$0x1] =	stream.indirect_vreg.gather [hbm4b:s3+s2], $0x80, v4, vm0, $0xb8;
	[tilespmem:$0x10D00] =	vst v63  }
0x188: {  	_ = 	snop  }
0x189: {  	[tilespmem:s28], [sflag:$0x1] =	stream.indirect_vreg.gather [hbm4b:s3+s2], $0x80, v3, vm0, $0xb8;
	[tilespmem:$0x10D00] =	vst v63  }
0x18a: {  	v3 =	vld [tilespmem:s25+$0xFFFFFF20];
	_ =	sdelay $0x4  }
0x18b: {  	v49 =	vshll.u32 v3, $0x1  }
0x18c: {  	v3 =	vand.u32 $0x7, v3;
	v4 =	vand.u32 $0xFFFFFFF0, v49  }
0x18d: {  	v3 =	vor.u32 v3, v4  }
0x18e: {  	v4 =	vperm.xlane v3, v0;
	_ =	sdelay $0x1  }
0x18f: {  	v3 =	vperm.xlane v3, v2;
	v4 =	vadd.s32 v1, v4;
	_ =	sdelay $0x1  }
0x190: {  	v3 =	vadd.s32 v1, v3;
	_ =	sdelay $0x2  }
0x191: {  	[tilespmem:s26], [sflag:$0x1] =	stream.indirect_vreg.gather [hbm4b:s3+s2], $0x80, v4, vm0, $0xb8;
	[tilespmem:$0x10D00] =	vst v63  }
0x192: {  	s26 =	simm.s32 $0x2500  }
0x193: {  	[tilespmem:s26], [sflag:$0x1] =	stream.indirect_vreg.gather [hbm4b:s3+s2], $0x80, v3, vm0, $0xb8;
	[tilespmem:$0x10D00] =	vst v63  }
0x194: {  	v3 =	vld [tilespmem:s25+$0xFFFFFF30];
	_ =	sdelay $0x4  }
0x195: {  	v50 =	vshll.u32 v3, $0x1  }
0x196: {  	v3 =	vand.u32 $0x7, v3;
	v4 =	vand.u32 $0xFFFFFFF0, v50  }
0x197: {  	v3 =	vor.u32 v3, v4  }
0x198: {  	v4 =	vperm.xlane v3, v0;
	_ =	sdelay $0x1  }
0x199: {  	v3 =	vperm.xlane v3, v2;
	v4 =	vadd.s32 v1, v4;
	_ =	sdelay $0x1  }
0x19a: {  	v3 =	vadd.s32 v1, v3;
	_ =	sdelay $0x1  }
0x19b: {  	s26 =	simm.s32 $0x2D00  }
0x19c: {  	[tilespmem:s26], [sflag:$0x1] =	stream.indirect_vreg.gather [hbm4b:s3+s2], $0x80, v4, vm0, $0xb8;
	[tilespmem:$0x10D00] =	vst v63  }
0x19d: {  	s26 =	simm.s32 $0x3500  }
0x19e: {  	[tilespmem:s26], [sflag:$0x1] =	stream.indirect_vreg.gather [hbm4b:s3+s2], $0x80, v3, vm0, $0xb8;
	[tilespmem:$0x10D00] =	vst v63  }
0x19f: {  	v3 =	vld [tilespmem:s25+$0xFFFFFF40];
	_ =	sdelay $0x4  }
0x1a0: {  	v51 =	vshll.u32 v3, $0x1  }
0x1a1: {  	v3 =	vand.u32 $0x7, v3;
	v4 =	vand.u32 $0xFFFFFFF0, v51  }
0x1a2: {  	v3 =	vor.u32 v3, v4  }
0x1a3: {  	v4 =	vperm.xlane v3, v0;
	_ =	sdelay $0x1  }
0x1a4: {  	v3 =	vperm.xlane v3, v2;
	v4 =	vadd.s32 v1, v4;
	_ =	sdelay $0x1  }
0x1a5: {  	v3 =	vadd.s32 v1, v3;
	_ =	sdelay $0x1  }
0x1a6: {  	s26 =	simm.s32 $0x3D00  }
0x1a7: {  	[tilespmem:s26], [sflag:$0x1] =	stream.indirect_vreg.gather [hbm4b:s3+s2], $0x80, v4, vm0, $0xb8;
	[tilespmem:$0x10D00] =	vst v63  }
0x1a8: {  	s26 =	simm.s32 $0x4500  }
0x1a9: {  	[tilespmem:s26], [sflag:$0x1] =	stream.indirect_vreg.gather [hbm4b:s3+s2], $0x80, v3, vm0, $0xb8;
	[tilespmem:$0x10D00] =	vst v63  }
0x1aa: {  	v3 =	vld [tilespmem:s25+$0xFFFFFF50];
	_ =	sdelay $0x4  }
0x1ab: {  	v52 =	vshll.u32 v3, $0x1  }
0x1ac: {  	v3 =	vand.u32 $0x7, v3;
	v4 =	vand.u32 $0xFFFFFFF0, v52  }
0x1ad: {  	v3 =	vor.u32 v3, v4  }
0x1ae: {  	v4 =	vperm.xlane v3, v0;
	_ =	sdelay $0x1  }
0x1af: {  	v3 =	vperm.xlane v3, v2;
	v4 =	vadd.s32 v1, v4;
	_ =	sdelay $0x1  }
0x1b0: {  	v3 =	vadd.s32 v1, v3;
	_ =	sdelay $0x1  }
0x1b1: {  	s26 =	simm.s32 $0x4D00  }
0x1b2: {  	[tilespmem:s26], [sflag:$0x1] =	stream.indirect_vreg.gather [hbm4b:s3+s2], $0x80, v4, vm0, $0xb8;
	[tilespmem:$0x10D00] =	vst v63  }
0x1b3: {  	s26 =	simm.s32 $0x5500  }
0x1b4: {  	[tilespmem:s26], [sflag:$0x1] =	stream.indirect_vreg.gather [hbm4b:s3+s2], $0x80, v3, vm0, $0xb8;
	[tilespmem:$0x10D00] =	vst v63  }
0x1b5: {  	v3 =	vld [tilespmem:s25+$0xFFFFFF60];
	_ =	sdelay $0x4  }
0x1b6: {  	v53 =	vshll.u32 v3, $0x1  }
0x1b7: {  	v3 =	vand.u32 $0x7, v3;
	v4 =	vand.u32 $0xFFFFFFF0, v53  }
0x1b8: {  	v3 =	vor.u32 v3, v4  }
0x1b9: {  	v4 =	vperm.xlane v3, v0;
	_ =	sdelay $0x1  }
0x1ba: {  	v3 =	vperm.xlane v3, v2;
	v4 =	vadd.s32 v1, v4;
	_ =	sdelay $0x1  }
0x1bb: {  	v3 =	vadd.s32 v1, v3;
	_ =	sdelay $0x1  }
0x1bc: {  	s26 =	simm.s32 $0x5D00  }
0x1bd: {  	[tilespmem:s26], [sflag:$0x1] =	stream.indirect_vreg.gather [hbm4b:s3+s2], $0x80, v4, vm0, $0xb8;
	[tilespmem:$0x10D00] =	vst v63  }
0x1be: {  	s26 =	simm.s32 $0x6500  }
0x1bf: {  	[tilespmem:s26], [sflag:$0x1] =	stream.indirect_vreg.gather [hbm4b:s3+s2], $0x80, v3, vm0, $0xb8;
	[tilespmem:$0x10D00] =	vst v63  }
0x1c0: {  	v3 =	vld [tilespmem:s25+$0xFFFFFF70];
	_ =	sdelay $0x4  }
0x1c1: {  	v54 =	vshll.u32 v3, $0x1  }
0x1c2: {  	v3 =	vand.u32 $0x7, v3;
	v4 =	vand.u32 $0xFFFFFFF0, v54  }
0x1c3: {  	v3 =	vor.u32 v3, v4  }
0x1c4: {  	v4 =	vperm.xlane v3, v0;
	_ =	sdelay $0x1  }
0x1c5: {  	v3 =	vperm.xlane v3, v2;
	v4 =	vadd.s32 v1, v4;
	_ =	sdelay $0x1  }
0x1c6: {  	v3 =	vadd.s32 v1, v3;
	_ =	sdelay $0x1  }
0x1c7: {  	s26 =	simm.s32 $0x6D00  }
0x1c8: {  	[tilespmem:s26], [sflag:$0x1] =	stream.indirect_vreg.gather [hbm4b:s3+s2], $0x80, v4, vm0, $0xb8;
	[tilespmem:$0x10D00] =	vst v63  }
0x1c9: {  	_ = 	snop  }
0x1ca: {  	[tilespmem:s7], [sflag:$0x1] =	stream.indirect_vreg.gather [hbm4b:s3+s2], $0x80, v3, vm0, $0xb8;
	[tilespmem:$0x10D00] =	vst v63  }
0x1cb: {  	v3 =	vld [tilespmem:s25+$0xFFFFFF80];
	_ =	sdelay $0x4  }
0x1cc: {  	v55 =	vshll.u32 v3, $0x1  }
0x1cd: {  	v3 =	vand.u32 $0x7, v3;
	v4 =	vand.u32 $0xFFFFFFF0, v55  }
0x1ce: {  	v3 =	vor.u32 v3, v4  }
0x1cf: {  	v4 =	vperm.xlane v3, v0;
	_ =	sdelay $0x1  }
0x1d0: {  	v3 =	vperm.xlane v3, v2;
	v4 =	vadd.s32 v1, v4;
	_ =	sdelay $0x1  }
0x1d1: {  	v3 =	vadd.s32 v1, v3;
	_ =	sdelay $0x2  }
0x1d2: {  	[tilespmem:s8], [sflag:$0x1] =	stream.indirect_vreg.gather [hbm4b:s3+s2], $0x80, v4, vm0, $0xb8;
	[tilespmem:$0x10D00] =	vst v63  }
0x1d3: {  	_ = 	snop  }
0x1d4: {  	[tilespmem:s9], [sflag:$0x1] =	stream.indirect_vreg.gather [hbm4b:s3+s2], $0x80, v3, vm0, $0xb8;
	[tilespmem:$0x10D00] =	vst v63  }
0x1d5: {  	_ =	swait.ge [sflag:s22], $0x8000  }
0x1d6: {  	s26 =	sadd.s32 s24, s15;
	[sflag:s22] =	ssyncset.done $0x0  }
0x1d7: {  	s28 =	sadd.s32 $0x7000, s26;
	[sflag:s22] =	ssyncadd.s32 $0xFFFF8000  }
0x1d8: {  	[hbm4b:s28+s2] =	stream.linear.scatter [tilespmem:s29], [sflag:$0x4], $0x8000, $0x38;
	[tilespmem:$0x10D00] =	vst v63  }
0x1d9: {  	_ =	swait.ge [sflag:s23], $0x8000  }
0x1da: {  	[sflag:s23] =	ssyncset.done $0x0  }
0x1db: {  	[sflag:s23] =	ssyncadd.s32 $0xFFFF8000  }
0x1dc: {  	v3 =	vld [tilespmem:s25+$0xFFFFFF90];
	_ =	sdelay $0x4  }
0x1dd: {  	v56 =	vshll.u32 v3, $0x1  }
0x1de: {  	v3 =	vand.u32 $0x7, v3;
	v4 =	vand.u32 $0xFFFFFFF0, v56  }
0x1df: {  	v3 =	vor.u32 v3, v4  }
0x1e0: {  	v4 =	vperm.xlane v3, v0;
	_ =	sdelay $0x1  }
0x1e1: {  	v3 =	vperm.xlane v3, v2;
	v4 =	vadd.s32 v1, v4;
	_ =	sdelay $0x1  }
0x1e2: {  	v3 =	vadd.s32 v1, v3;
	_ =	sdelay $0x2  }
0x1e3: {  	[tilespmem:s29], [sflag:$0x2] =	stream.indirect_vreg.gather [hbm4b:s3+s2], $0x80, v4, vm0, $0xb8;
	[tilespmem:$0x10D00] =	vst v63  }
0x1e4: {  	_ = 	snop  }
0x1e5: {  	[tilespmem:s12], [sflag:$0x2] =	stream.indirect_vreg.gather [hbm4b:s3+s2], $0x80, v3, vm0, $0xb8;
	[tilespmem:$0x10D00] =	vst v63  }
0x1e6: {  	v3 =	vld [tilespmem:s25+$0xFFFFFFA0];
	_ =	sdelay $0x4  }
0x1e7: {  	v57 =	vshll.u32 v3, $0x1  }
0x1e8: {  	v3 =	vand.u32 $0x7, v3;
	v4 =	vand.u32 $0xFFFFFFF0, v57  }
0x1e9: {  	v3 =	vor.u32 v3, v4  }
0x1ea: {  	v4 =	vperm.xlane v3, v0;
	_ =	sdelay $0x1  }
0x1eb: {  	v3 =	vperm.xlane v3, v2;
	v4 =	vadd.s32 v1, v4;
	_ =	sdelay $0x1  }
0x1ec: {  	v3 =	vadd.s32 v1, v3;
	_ =	sdelay $0x2  }
0x1ed: {  	[tilespmem:s16], [sflag:$0x2] =	stream.indirect_vreg.gather [hbm4b:s3+s2], $0x80, v4, vm0, $0xb8;
	[tilespmem:$0x10D00] =	vst v63  }
0x1ee: {  	_ = 	snop  }
0x1ef: {  	[tilespmem:s17], [sflag:$0x2] =	stream.indirect_vreg.gather [hbm4b:s3+s2], $0x80, v3, vm0, $0xb8;
	[tilespmem:$0x10D00] =	vst v63  }
0x1f0: {  	v3 =	vld [tilespmem:s25+$0xFFFFFFB0];
	_ =	sdelay $0x4  }
0x1f1: {  	v58 =	vshll.u32 v3, $0x1  }
0x1f2: {  	v3 =	vand.u32 $0x7, v3;
	v4 =	vand.u32 $0xFFFFFFF0, v58  }
0x1f3: {  	v3 =	vor.u32 v3, v4  }
0x1f4: {  	v4 =	vperm.xlane v3, v0;
	_ =	sdelay $0x1  }
0x1f5: {  	v3 =	vperm.xlane v3, v2;
	v4 =	vadd.s32 v1, v4;
	_ =	sdelay $0x1  }
0x1f6: {  	v3 =	vadd.s32 v1, v3;
	_ =	sdelay $0x2  }
0x1f7: {  	[tilespmem:s18], [sflag:$0x2] =	stream.indirect_vreg.gather [hbm4b:s3+s2], $0x80, v4, vm0, $0xb8;
	[tilespmem:$0x10D00] =	vst v63  }
0x1f8: {  	_ = 	snop  }
0x1f9: {  	[tilespmem:s19], [sflag:$0x2] =	stream.indirect_vreg.gather [hbm4b:s3+s2], $0x80, v3, vm0, $0xb8;
	[tilespmem:$0x10D00] =	vst v63  }
0x1fa: {  	v3 =	vld [tilespmem:s25+$0xFFFFFFC0];
	_ =	sdelay $0x4  }
0x1fb: {  	v59 =	vshll.u32 v3, $0x1  }
0x1fc: {  	v3 =	vand.u32 $0x7, v3;
	v4 =	vand.u32 $0xFFFFFFF0, v59  }
0x1fd: {  	v3 =	vor.u32 v3, v4  }
0x1fe: {  	v4 =	vperm.xlane v3, v0;
	_ =	sdelay $0x1  }
0x1ff: {  	v3 =	vperm.xlane v3, v2;
	v4 =	vadd.s32 v1, v4;
	_ =	sdelay $0x1  }
0x200: {  	v3 =	vadd.s32 v1, v3;
	_ =	sdelay $0x2  }
0x201: {  	[tilespmem:s10], [sflag:$0x2] =	stream.indirect_vreg.gather [hbm4b:s3+s2], $0x80, v4, vm0, $0xb8;
	[tilespmem:$0x10D00] =	vst v63  }
0x202: {  	_ = 	snop  }
0x203: {  	[tilespmem:s30], [sflag:$0x2] =	stream.indirect_vreg.gather [hbm4b:s3+s2], $0x80, v3, vm0, $0xb8;
	[tilespmem:$0x10D00] =	vst v63  }
0x204: {  	v3 =	vld [tilespmem:s25+$0xFFFFFFD0];
	_ =	sdelay $0x4  }
0x205: {  	v60 =	vshll.u32 v3, $0x1  }
0x206: {  	v3 =	vand.u32 $0x7, v3;
	v4 =	vand.u32 $0xFFFFFFF0, v60  }
0x207: {  	v3 =	vor.u32 v3, v4  }
0x208: {  	v4 =	vperm.xlane v3, v0;
	_ =	sdelay $0x1  }
0x209: {  	v3 =	vperm.xlane v3, v2;
	v4 =	vadd.s32 v1, v4;
	_ =	sdelay $0x1  }
0x20a: {  	v3 =	vadd.s32 v1, v3;
	_ =	sdelay $0x2  }
0x20b: {  	[tilespmem:s31], [sflag:$0x2] =	stream.indirect_vreg.gather [hbm4b:s3+s2], $0x80, v4, vm0, $0xb8;
	[tilespmem:$0x10D00] =	vst v63  }
0x20c: {  	_ = 	snop  }
0x20d: {  	[tilespmem:s1], [sflag:$0x2] =	stream.indirect_vreg.gather [hbm4b:s3+s2], $0x80, v3, vm0, $0xb8;
	[tilespmem:$0x10D00] =	vst v63  }
0x20e: {  	v3 =	vld [tilespmem:s25+$0xFFFFFFE0];
	_ =	sdelay $0x4  }
0x20f: {  	v61 =	vshll.u32 v3, $0x1  }
0x210: {  	v3 =	vand.u32 $0x7, v3;
	v4 =	vand.u32 $0xFFFFFFF0, v61  }
0x211: {  	v3 =	vor.u32 v3, v4  }
0x212: {  	v4 =	vperm.xlane v3, v0;
	_ =	sdelay $0x1  }
0x213: {  	v3 =	vperm.xlane v3, v2;
	v4 =	vadd.s32 v1, v4;
	_ =	sdelay $0x1  }
0x214: {  	v3 =	vadd.s32 v1, v3;
	_ =	sdelay $0x2  }
0x215: {  	[tilespmem:s11], [sflag:$0x2] =	stream.indirect_vreg.gather [hbm4b:s3+s2], $0x80, v4, vm0, $0xb8;
	[tilespmem:$0x10D00] =	vst v63  }
0x216: {  	_ = 	snop  }
0x217: {  	[tilespmem:s13], [sflag:$0x2] =	stream.indirect_vreg.gather [hbm4b:s3+s2], $0x80, v3, vm0, $0xb8;
	[tilespmem:$0x10D00] =	vst v63  }
0x218: {  	v3 =	vld [tilespmem:s25+$0xFFFFFFF0];
	_ =	sdelay $0x4  }
0x219: {  	v62 =	vshll.u32 v3, $0x1  }
0x21a: {  	v3 =	vand.u32 $0x7, v3;
	v4 =	vand.u32 $0xFFFFFFF0, v62  }
0x21b: {  	v3 =	vor.u32 v3, v4  }
0x21c: {  	v4 =	vperm.xlane v3, v0;
	_ =	sdelay $0x1  }
0x21d: {  	v3 =	vperm.xlane v3, v2;
	v4 =	vadd.s32 v1, v4;
	_ =	sdelay $0x1  }
0x21e: {  	v3 =	vadd.s32 v1, v3;
	_ =	sdelay $0x2  }
0x21f: {  	[tilespmem:s14], [sflag:$0x2] =	stream.indirect_vreg.gather [hbm4b:s3+s2], $0x80, v4, vm0, $0xb8;
	[tilespmem:$0x10D00] =	vst v63  }
0x220: {  	_ = 	snop  }
0x221: {  	[tilespmem:s4], [sflag:$0x2] =	stream.indirect_vreg.gather [hbm4b:s3+s2], $0x80, v3, vm0, $0xb8;
	[tilespmem:$0x10D00] =	vst v63  }
0x222: {  	v3 =	vld [tilespmem:s25+$0x0];
	_ =	sdelay $0x4  }
0x223: {  	v63 =	vshll.u32 v3, $0x1  }
0x224: {  	v3 =	vand.u32 $0x7, v3;
	v4 =	vand.u32 $0xFFFFFFF0, v63  }
0x225: {  	v3 =	vor.u32 v3, v4  }
0x226: {  	v4 =	vperm.xlane v3, v0;
	_ =	sdelay $0x1  }
0x227: {  	v3 =	vperm.xlane v3, v2;
	v4 =	vadd.s32 v1, v4;
	_ =	sdelay $0x1  }
0x228: {  	v3 =	vadd.s32 v1, v3;
	_ =	sdelay $0x1  }
0x229: {  	s24 =	sadd.s32 $0x2000, s24  }
0x22a: {  	[tilespmem:s5], [sflag:$0x2] =	stream.indirect_vreg.gather [hbm4b:s3+s2], $0x80, v4, vm0, $0xb8;
	[tilespmem:$0x10D00] =	vst v63  }
0x22b: {  	p0 =	sne.s32 s24, $0x0  }
0x22c: {  	[tilespmem:s6], [sflag:$0x2] =	stream.indirect_vreg.gather [hbm4b:s3+s2], $0x80, v3, vm0, $0xb8;
	[tilespmem:$0x10D00] =	vst v63  }
.Ltmp1:
0x22d: {  	_ =	swait.ge [sflag:s20], $0x8000;
	(pc) =	sbr.rel @p0 .LBB2_4-.Ltmp1, $4  }
0x22e: {  	[sflag:s20] =	ssyncset.done $0x0  }
0x22f: {  	s26 =	sadd.s32 $0x8000, s26;
	[sflag:s20] =	ssyncadd.s32 $0xFFFF8000  }
0x230: {  	[hbm4b:s26+s2] =	stream.linear.scatter [tilespmem:s0], [sflag:$0x3], $0x8000, $0x38;
	[tilespmem:$0x10D00] =	vst v63  }
0x231: {  	s28 =	simm.s32 $0x1500;
	s25 =	sadd.s32 $0x100, s25;
	s26 =	simm.s32 $0x1D00  }
0x232: {  	_ =	swait.ge [sflag:s22], $0x8000  }
0x233: {  	s24 =	sadd.s32 s24, s15;
	[sflag:s22] =	ssyncset.done $0x0  }
0x234: {  	s24 =	sadd.s32 $0x7000, s24;
	[sflag:s22] =	ssyncadd.s32 $0xFFFF8000  }
0x235: {  	[hbm4b:s24+s2] =	stream.linear.scatter [tilespmem:s29], [sflag:$0x4], $0x8000, $0x38;
	[tilespmem:$0x10D00] =	vst v63  }
0x236: {  	_ =	swait.ge [sflag:s21], $0x8000  }
0x237: {  	[sflag:s21] =	ssyncset.done $0x0  }
0x238: {  	[sflag:s21] =	ssyncadd.s32 $0xFFFF8000  }
0x239: {  	_ =	swait.ge [sflag:s23], $0x8000  }
0x23a: {  	s0 =	rddreg [dreg:$0xa]  }
0x23b: {  	s26 =	rddreg [dreg:$0x8];
	s0 =	sadd.s32 $0x1, s0  }
0x23c: {  	p0 =	sne.s32 s0, s26  }
.Ltmp2:
0x23d: {  	_ = 	snop;
	(pc) =	sbr.rel @p0 .LBB2_1-.Ltmp2, $3  }
0x23e: {  	_ =	sdelay $0x1  }
0x23f: {  	[sflag:s23] =	ssyncset.done $0x0  }
0x240: {  	s1 =	simm.s32 $0xD00;
	s10 =	simm.s32 $0x8D00;
	[sflag:s23] =	ssyncadd.s32 $0xFFFF8000  }
0x241: {  	_ =	sfence.sel $0x180000  }
0x242: {  	[bflag:$0x0] =	sbarrier.arrive $0xFFFF  }
0x243: {  	_ =	strace $0x9000004A  }
0x244: {  	s0 =	stileid.u32;
	[bflag:$0x2] =	sbarrier.arrive $0xFFFF  }
0x245: {  	p0 =	sne.s32 s0, $0x0;
	s0 =	rddreg [dreg:$0x2]  }
0x246: {  	s0 =	sadd.s32 @!p0 $0x100000, s0  }
0x247: {  	[sflag:s0] =	ssyncadd.tile.s32 @!p0 $0x1;
	_ =	shalt  }
.Lfunc_end2:
_tile_overlayer_lowered:
.L_overlay_start_2:
0x248: {  	(tag) =	ssettag $0x2  }
0x249: {  	s0 =	rddreg [dreg:$0x0];
	s2 =	stileid.u32  }
0x24a: {  	s1 =	rddreg [dreg:$0x1];
	p0 =	sne.s32 s2, $0x0  }
0x24b: {  	s3 =	rddreg [dreg:$0x2];
	[bflag:$0x3] =	sbarrier.arrive $0xFFFF;
	s2 =	simm.s32 @!p0 $0x1C05  }
0x24c: {  	[timem:s3], [sflag:s2] =	dma.local @!p0 [hbm:s0], s1  }
0x24d: {  	s0 =	simm.s32 @!p0 $0x5  }
0x24e: {  	_ =	swait.ge @!p0 [sflag:s0], s1  }
0x24f: {  	s1 =	ssub.s32 @!p0 $0x0, s1;
	[sflag:s0] =	ssyncset.done @!p0 $0x0  }
0x250: {  	[sflag:s0] =	ssyncadd.s32 @!p0 s1  }
0x251: {  	[bflag:$0x3] =	sbarrier.arrive $0xFFFF  }
0x252: {  	_ =	shalt  }

// kernel: kernel.7.cloned.1.call-start
scs
__scs_entry_jumppad:
0x0: {  	(pc) =	sbr.rel $0x88, $3  }
0x1: {  	(tag) =	ssettag $0x0;
	lr =	simm.s32 $0x1  }
0x2: {  	[smem:$0x3F9A] =	sst lr;
	_ =	strace $0xD0000000  }
0x3: {  	_ = 	snop  }
0x4: {  	_ = 	snop  }
0x5: {  	_ = 	snop  }
0x6: {  	_ = 	snop  }
0x7: {  	_ = 	snop  }
__scs_overlays_trampoline_lowered:
0x8: {  	[smem:$0x3FA9] =	sst s0  }
0x9: {  	[smem:$0x3FAA] =	sst s1  }
0xa: {  	[smem:$0x3FAB] =	sst s2  }
0xb: {  	[smem:$0x3FAC] =	sst s3  }
0xc: {  	[smem:$0x3FAD] =	sst s4  }
0xd: {  	[smem:$0x3FAE] =	sst s5  }
0xe: {  	[smem:$0x3FAF] =	sst s6  }
0xf: {  	[smem:$0x3FB0] =	sst s7  }
0x10: {  	[smem:$0x3FB1] =	sst s8  }
0x11: {  	[smem:$0x3FB2] =	sst s9;
	s0 =	simm.s32 @!p0 $0x0  }
0x12: {  	s1 =	sld [smem:$0x3F98];
	s0 =	simm.s32 @p0 $0x1  }
0x13: {  	[smem:$0x3FB3] =	sst s0;
	s0 =	simm.s32 @!p1 $0x0  }
0x14: {  	s2 =	sld [smem:$0x3F97];
	s0 =	simm.s32 @p1 $0x1  }
0x15: {  	[smem:$0x3FB4] =	sst s0;
	s0 =	simm.s32 @!p2 $0x0  }
0x16: {  	s3 =	sld [smem:$0x3FDB];
	s0 =	simm.s32 @p2 $0x1  }
0x17: {  	s4 =	simm.s32 $0x1BF5;
	[smem:$0x3FB6] =	sst s0  }
0x18: {  	s0 =	sld [smem:$0x3F99];
	_ =	swait.ge [sflag:s4], $0x0  }
0x19: {  	s7 =	sld [smem:$0x3F9A]  }
0x1a: {  	s8 =	sadd.s32 $0xFFFFE003, lr  }
0x1b: {  	s9 =	sadd.s32 $0xFFFFFEF7, lr;
	s5 =	simm.s32 $0xFFFFFFFF;
	p2 =	slt.u32 s8, $0xFFFFF086  }
0x1c: {  	p1 =	slt.u32 s9, $0xF7A;
	s5 =	simm.s32 @!p2 $0x0  }
0x1d: {  	s5 =	simm.s32 @p1 $0x1;
	p0 =	seq.s32 s7, s2  }
0x1e: {  	s7 =	smul.u32 @!p0 $0xF7A, s2;
	p2 =	seq.s32 @!p0 s5, $0x0  }
0x1f: {  	s9 =	smul.u32 $0xF7A, s1;
	s8 =	simm.s32 @!p0 $0x1BF5;
	p2 =	por !p2, p0  }
0x20: {  	[sflag:s8] =	ssyncset.s32 @!p0 $0xFFFFF086;
	s6 =	sadd.s32 @!p0 s3, s7;
	s7 =	simm.s32 @!p0 $0x108  }
0x21: {  	s3 =	sadd.s32 s3, s9;
	s6 =	sadd.s32 @!p0 $0x88, s6;
	s7 =	simm.s32 @p2 $0x1082  }
0x22: {  	[simem:s7], [sflag:s8] =	dma.local @!p0 [hbm:s6], $0xF7A  }
0x23: {  	s9 =	sor.u32 $0xD0000000, s2;
	s6 =	simm.s32 $0x108;
	_ =	swait.ge @!p0 [sflag:s8], $0x0  }
0x24: {  	s3 =	sadd.s32 $0x88, s3;
	s6 =	simm.s32 @!p1 $0x1082;
	[sflag:s4] =	ssyncset.s32 $0xFFFFF086  }
0x25: {  	[simem:s6], [sflag:s4] =	dma.local [hbm:s3], $0xF7A  }
0x26: {  	[smem:$0x3F9A] =	sst s1;
	(tag) =	ssettag s2;
	_ =	strace s9  }
0x27: {  	s1 =	sld [smem:$0x3FAA]  }
0x28: {  	s2 =	sld [smem:$0x3FAB]  }
0x29: {  	s4 =	sld [smem:$0x3FAD]  }
0x2a: {  	p0 =	seq.s32 s5, $0x0;
	s5 =	sld [smem:$0x3FAE]  }
0x2b: {  	s6 =	sld [smem:$0x3FAF]  }
0x2c: {  	s7 =	sld [smem:$0x3FB0]  }
0x2d: {  	s3 =	simm.s32 $0x108;
	s8 =	sld [smem:$0x3FB1]  }
0x2e: {  	s3 =	simm.s32 @!p0 $0x1082;
	s9 =	sld [smem:$0x3FB2]  }
0x2f: {  	lr =	sadd.s32 s0, s3;
	s0 =	sld [smem:$0x3FA9]  }
0x30: {  	s3 =	sld [smem:$0x3FAC]  }
0x31: {  	[smem:$0x3FB5] =	sst s10  }
0x32: {  	s10 =	sld [smem:$0x3FB3];
	_ =	sdelay $0x3  }
0x33: {  	p0 =	seq.s32 s10, $0x1;
	s10 =	sld [smem:$0x3FB5];
	_ =	sdelay $0x3  }
0x34: {  	[smem:$0x3FB5] =	sst s10  }
0x35: {  	s10 =	sld [smem:$0x3FB4];
	_ =	sdelay $0x3  }
0x36: {  	p1 =	seq.s32 s10, $0x1;
	s10 =	sld [smem:$0x3FB5];
	_ =	sdelay $0x3  }
0x37: {  	[smem:$0x3FB5] =	sst s10  }
0x38: {  	s10 =	sld [smem:$0x3FB6]  }
0x39: {  	_ = 	snop;
	(pc) =	sbr.ind lr, $3  }
0x3a: {  	_ = 	snop  }
0x3b: {  	_ = 	snop  }
0x3c: {  	p2 =	seq.s32 s10, $0x1;
	s10 =	sld [smem:$0x3FB5]  }
0x3d: {  	_ =	shalt  }
0x3e: {  	_ =	shalt  }
0x3f: {  	_ =	shalt  }
0x40: {  	_ =	shalt  }
0x41: {  	_ =	shalt  }
0x42: {  	_ =	shalt  }
0x43: {  	_ =	shalt  }
0x44: {  	_ =	shalt  }
0x45: {  	_ =	shalt  }
0x46: {  	_ =	shalt  }
0x47: {  	_ =	shalt  }
0x48: {  	_ =	shalt  }
0x49: {  	_ =	shalt  }
0x4a: {  	_ =	shalt  }
0x4b: {  	_ =	shalt  }
0x4c: {  	_ =	shalt  }
0x4d: {  	_ =	shalt  }
0x4e: {  	_ =	shalt  }
0x4f: {  	_ =	shalt  }
0x50: {  	_ =	shalt  }
0x51: {  	_ =	shalt  }
0x52: {  	_ =	shalt  }
0x53: {  	_ =	shalt  }
0x54: {  	_ =	shalt  }
0x55: {  	_ =	shalt  }
0x56: {  	_ =	shalt  }
0x57: {  	_ =	shalt  }
0x58: {  	_ =	shalt  }
0x59: {  	_ =	shalt  }
0x5a: {  	_ =	shalt  }
0x5b: {  	_ =	shalt  }
0x5c: {  	_ =	shalt  }
0x5d: {  	_ =	shalt  }
0x5e: {  	_ =	shalt  }
0x5f: {  	_ =	shalt  }
0x60: {  	_ =	shalt  }
0x61: {  	_ =	shalt  }
0x62: {  	_ =	shalt  }
0x63: {  	_ =	shalt  }
0x64: {  	_ =	shalt  }
0x65: {  	_ =	shalt  }
0x66: {  	_ =	shalt  }
0x67: {  	_ =	shalt  }
0x68: {  	_ =	shalt  }
0x69: {  	_ =	shalt  }
0x6a: {  	_ =	shalt  }
0x6b: {  	_ =	shalt  }
0x6c: {  	_ =	shalt  }
0x6d: {  	_ =	shalt  }
0x6e: {  	_ =	shalt  }
0x6f: {  	_ =	shalt  }
0x70: {  	_ =	shalt  }
0x71: {  	_ =	shalt  }
0x72: {  	_ =	shalt  }
0x73: {  	_ =	shalt  }
0x74: {  	_ =	shalt  }
0x75: {  	_ =	shalt  }
0x76: {  	_ =	shalt  }
0x77: {  	_ =	shalt  }
0x78: {  	_ =	shalt  }
0x79: {  	_ =	shalt  }
0x7a: {  	_ =	shalt  }
0x7b: {  	_ =	shalt  }
0x7c: {  	_ =	shalt  }
0x7d: {  	_ =	shalt  }
0x7e: {  	_ =	shalt  }
0x7f: {  	_ =	shalt  }
0x80: {  	_ =	shalt  }
0x81: {  	_ =	shalt  }
0x82: {  	_ =	shalt  }
0x83: {  	_ =	shalt  }
0x84: {  	_ =	shalt  }
0x85: {  	_ =	shalt  }
0x86: {  	_ =	shalt  }
0x87: {  	_ =	shalt  }
.Lfunc_end0:
.L_simem_size_0:
called_computation_lowered:
.L_overlay_start_0:
0x88: {  	s2 =	sld [smem:$0x3FD9]  }
0x89: {  	s3 =	sld [smem:$0x3FFE];
	_ =	sdelay $0x1  }
0x8a: {  	s1 =	srdreg.scid  }
0x8b: {  	s0 =	sand.u32 $0x1, s1  }
0x8c: {  	s14 =	sshll.u32 s0, $0xA;
	s2 =	sadd.s32 s3, s2  }
0x8d: {  	s2 =	sadd.s32 s2, s14  }
0x8e: {  	[smem:$0x3FC1] =	sst s2  }
0x8f: {  	_ = 	snop  }
0x90: {  	s2 =	sld [smem:$0x3FD0];
	_ =	sdelay $0x2  }
0x91: {  	s4 =	simm.s32 $0xA;
	s5 =	simm.s32 $0x10;
	s15 =	sld [smem:$0x3FC9]  }
0x92: {  	[smem:s5], [sflag:s4] =	dma.local [hbm:s2], $0x1  }
0x93: {  	_ =	swait.eq [sflag:s4], $0x1  }
0x94: {  	[sflag:s4] =	ssyncset.done $0x0  }
0x95: {  	[sflag:s4] =	ssyncadd.s32 $0xFFFFFFFF  }
0x96: {  	s16 =	sld [smem:$0x10];
	(tm) =	ssettm $0x1  }
0x97: {  	s17 =	sld [smem:$0x3FFB];
	_ =	sdelay $0x3  }
0x98: {  	_ =	strace s17  }
0x99: {  	s4 =	sld [smem:$0x3FFC];
	_ =	sdelay $0x3  }
0x9a: {  	_ =	strace s4  }
0x9b: {  	s4 =	sld [smem:$0x3FFD];
	_ =	sdelay $0x3  }
0x9c: {  	_ =	strace s4  }
0x9d: {  	_ =	strace $0x8FFFFFFF  }
0x9e: {  	s18 =	sld [smem:$0x3FDB];
	_ =	sdelay $0x1  }
0x9f: {  	s19 =	simm.s32 $_scs_section_size  }
0xa0: {  	s6 =	simm.s32 $_size__tile_overlayer_lowered;
	s7 =	simm.s32 $_tile_overlayer_lowered  }
0xa1: {  	s22 =	simm.s32 $0x1BFF;
	s21 =	sshll.u32 s7, $0x1;
	s4 =	sadd.s32 s19, s18  }
0xa2: {  	s8 =	simm.s32 $0x0;
	s20 =	sshll.u32 s6, $0x1;
	s6 =	sadd.s32 s21, s4  }
0xa3: {  	[timem:s8], [sflag:s22] =	dma.local [hbm:s6], s20  }
0xa4: {  	_ =	swait.ge [sflag:s22], s20  }
0xa5: {  	s5 =	ssub.s32 $0x0, s20;
	[sflag:s22] =	ssyncset.done $0x0  }
0xa6: {  	[sflag:s22] =	ssyncadd.s32 s5;
	_ =	sdelay $0x1  }
0xa7: {  	s23 =	simm.s32 $0x1B8B  }
0xa8: {  	_ =	swait.ge [sflag:s23], $0x1  }
0xa9: {  	[sflag:s23] =	ssyncset.done $0x0  }
0xaa: {  	s25 =	simm.s32 $0x1B8E;
	s24 =	sld [smem:$0x3FFE];
	[sflag:s23] =	ssyncadd.s32 $0xFFFFFFFF  }
0xab: {  	s26 =	simm.s32 $execute0_lowered;
	[smem:$0x3FD2] =	sst s25  }
0xac: {  	s6 =	sshll.u32 s26, $0x1;
	_ =	strace $0x80000046;
	[dreg:$0x1] =	wrdreg $0xFFFFFFFF  }
0xad: {  	s28 =	simm.s32 $_size_execute0_lowered;
	s4 =	sadd.s32 s4, s6;
	[dreg:$0x0] =	wrdreg $0x0  }
0xae: {  	s6 =	sshll.u32 s28, $0x1;
	[dreg:$0x2] =	wrdreg s4  }
0xaf: {  	[dreg:$0x3] =	wrdreg s6  }
0xb0: {  	[dreg:$0x4] =	wrdreg $0xC0  }
0xb1: {  	_ =	task [dreg:s8], $0x5FFFF  }
0xb2: {  	[dreg:$0x1] =	wrdreg $0xFFFFFFFF  }
0xb3: {  	[dreg:$0x0] =	wrdreg $0x60  }
0xb4: {  	[dreg:$0x2] =	wrdreg s15  }
0xb5: {  	[dreg:$0x3] =	wrdreg s16  }
0xb6: {  	[dreg:$0x4] =	wrdreg s24  }
0xb7: {  	[dreg:$0x5] =	wrdreg $0x9  }
0xb8: {  	_ =	task.clear_ibuf [dreg:s8], $0x6FFFF;
	_ =	strace $0x90000046  }
0xb9: {  	s29 =	simm.s32 $0x9;
	_ =	strace $0x80000048  }
0xba: {  	_ =	swait.ge [sflag:s29], $0x1  }
0xbb: {  	[sflag:s29] =	ssyncadd.s32 $0xFFFFFFFF  }
0xbc: {  	_ =	strace $0x90000048  }
0xbd: {  	_ =	sfence  }
0xbe: {  	s30 =	sld [smem:$0x0];
	_ =	sdelay $0x2  }
0xbf: {  	s31 =	sshll.u32 s1, $0xD;
	s1 =	sshrl.u32 s1, $0x2  }
0xc0: {  	s3 =	sand.u32 $0x4000, s31;
	s1 =	sadd.s32 s1, s30  }
0xc1: {  	s0 =	sor.u32 s3, s0;
	s1 =	sshll.u32 s1, $0x11  }
0xc2: {  	s0 =	sor.u32 s1, s0  }
0xc3: {  	s0 =	sadd.s32 $0x8F2B, s0  }
0xc4: {  	[sflag:s0] =	ssyncadd.remote.s32 $0x1  }
0xc5: {  	_ =	sfence.sel $0xFFFF  }
0xc6: {  	[dreg:$0x0] =	wrdreg $0xFFFFFFFF;
	(pc) =	sbr.abs _section_cstart, $3  }
0xc7: {  	[dreg:$0x1] =	wrdreg $0xFFFFFFFF  }
0xc8: {  	_ =	task.clear_ibuf [dreg:s8], $0x2FFFF;
	_ =	strace $0x9FFFFFFF  }
0xc9: {  	(tm) =	ssettm $0x7FFFFFFF  }
tec
execute0_lowered:
.L_overlay_start_1:
0x0: {  	(tag) =	ssettag $0x1  }
0x1: {  	s0 =	rddreg [dreg:$0x0]  }
0x2: {  	s1 =	srdreg.scid;
	s3 =	rddreg [dreg:$0x1]  }
0x3: {  	s10 =	stileid.u32;
	s4 =	rddreg [dreg:$0x2]  }
0x4: {  	s2 =	simm.s32 $0x0;
	s16 =	simm.s32 $0xD00;
	s17 =	simm.s32 $0x8D00  }
0x5: {  	s18 =	simm.s32 $0x1;
	s12 =	simm.s32 $0x8500;
	s14 =	simm.s32 $0x2  }
0x6: {  	s15 =	simm.s32 $0x9500;
	s13 =	simm.s32 $0xD500;
	s19 =	simm.s32 $0xDD00  }
0x7: {  	s20 =	simm.s32 $0xE500;
	s21 =	simm.s32 $0xED00;
	s22 =	simm.s32 $0xF500  }
0x8: {  	s23 =	simm.s32 $0xFD00;
	s28 =	simm.s32 $0x0;
	s1 =	sand.u32 $0x1, s1  }
0x9: {  	s5 =	sshll.u32 s10, $0xB;
	[smem:$0x7FF] =	sst s2;
	s24 =	sadd.s32 $0x4A00, s4  }
0xa: {  	s25 =	sadd.s32 $0x4800, s4;
	s31 =	sshll.u32 s10, $0x10;
	s10 =	simm.s32 $0xC500  }
0xb: {  	s6 =	sshll.u32 s1, $0xA;
	_ =	strace $0x80000047;
	[dreg:$0x4] =	wrdreg s24  }
0xc: {  	[dreg:$0x5] =	wrdreg s25;
	s9 =	ssub.s32 $0x2, s1;
	s1 =	sshll.u32 s1, $0xF  }
0xd: {  	s24 =	simm.s32 $0x10500;
	s25 =	simm.s32 $0x4;
	s6 =	sor.u32 s6, s5  }
0xe: {  	s5 =	sadd.s32 $0x4C00, s4;
	s26 =	sshrl.u32 s9, $0x1;
	s7 =	sshrl.u32 s6, $0x3  }
0xf: {  	s6 =	sshll.u32 s6, $0x5;
	s8 =	sadd.s32 s7, s4;
	s4 =	ssub.s32 s9, s26  }
0x10: {  	s3 =	sadd.s32 s3, s7;
	s29 =	sadd.s32 s0, s6;
	s0 =	sadd.s32 s31, s0  }
0x11: {  	s6 =	simm.s32 $0xAD00;
	s9 =	simm.s32 $0xBD00;
	s7 =	simm.s32 $0xCD00  }
.Ltmp0:
0x12: {  	[dreg:$0x6] =	wrdreg s3;
	s30 =	sadd.s32 $0x2200, s8;
	(pc) =	sbr.rel .LBB2_1-.Ltmp0, $4  }
0x13: {  	[dreg:$0x7] =	wrdreg s29;
	s3 =	sadd.s32 $0x1000, s29;
	s4 =	smax.u32 s4, $0x1  }
0x14: {  	v2 =	vlaneseq.u32;
	s11 =	sadd.s32 s1, s0;
	s1 =	simm.s32 $0x7500;
	[dreg:$0x8] =	wrdreg s30  }
0x15: {  	vm0 =	vmmov $0xffff;
	v1 =	vshrl.u32 v2, $0x3;
	s0 =	simm.s32 $0x7D00;
	s8 =	simm.s32 $0xB500;
	[dreg:$0x9] =	wrdreg s3  }
0x16: {  	v0 =	vand.u32 $0x7, v2;
	v2 =	vor.u32 $0x8, v2;
	v1 =	vmul.u32 $0x8, v1;
	[dreg:$0xa] =	wrdreg s4;
	s3 =	simm.s32 $0x9D00;
	s4 =	simm.s32 $0xA500  }
.LBB2_6:
0x17: {  	s26 =	simm.s32 $0x3  }
0x18: {  	_ =	swait.ge [sflag:s26], $0x8000  }
0x19: {  	[sflag:s26] =	ssyncset.done $0x0  }
0x1a: {  	[sflag:s26] =	ssyncadd.s32 $0xFFFF8000  }
0x1b: {  	_ =	swait.ge [sflag:s25], $0x8000  }
0x1c: {  	s28 =	rddreg [dreg:$0xb]  }
0x1d: {  	s31 =	rddreg [dreg:$0xa];
	s28 =	sadd.s32 $0x1, s28  }
0x1e: {  	p0 =	sne.s32 s28, s31  }
.Ltmp1:
0x1f: {  	_ = 	snop;
	(pc) =	sbr.rel @!p0 .LBB2_7-.Ltmp1, $3  }
0x20: {  	_ =	sdelay $0x1  }
0x21: {  	[sflag:s25] =	ssyncset.done $0x0  }
0x22: {  	[sflag:s25] =	ssyncadd.s32 $0xFFFF8000  }
.LBB2_1:
0x23: {  	[dreg:$0xb] =	wrdreg s28  }
0x24: {  	s26 =	rddreg [dreg:$0x4];
	s28 =	simm.s32 $0xC00  }
0x25: {  	[tilespmem:s28], [sflag:$0x5] =	stream.linear.gather [hbm4b:s26+s2], $0x80, $0x38;
	[tilespmem:$0x10D00] =	vst v63  }
0x26: {  	s28 =	simm.s32 $0x5  }
0x27: {  	_ =	swait.ge [sflag:s28], $0x80  }
0x28: {  	[sflag:s28] =	ssyncset.done $0x0  }
0x29: {  	s29 =	simm.s32 $0xC80;
	s31 =	rddreg [dreg:$0x5];
	[sflag:s28] =	ssyncadd.s32 $0xFFFFFF80  }
0x2a: {  	[tilespmem:s29], [sflag:$0x5] =	stream.linear.gather [hbm4b:s31+s2], $0x80, $0x38;
	[tilespmem:$0x10D00] =	vst v63  }
0x2b: {  	_ =	swait.ge [sflag:s28], $0x80  }
0x2c: {  	[sflag:s28] =	ssyncset.done $0x0  }
0x2d: {  	s30 =	rddreg [dreg:$0x6];
	[sflag:s28] =	ssyncadd.s32 $0xFFFFFF80  }
0x2e: {  	[tilespmem:s2], [sflag:$0x5] =	stream.linear.gather [hbm4b:s30+s2], $0x400, $0x38;
	[tilespmem:$0x10D00] =	vst v63  }
0x2f: {  	_ =	swait.ge [sflag:s28], $0x400  }
0x30: {  	[sflag:s28] =	ssyncset.done $0x0  }
0x31: {  	s29 =	simm.s32 $0x400;
	s31 =	rddreg [dreg:$0x8];
	[sflag:s28] =	ssyncadd.s32 $0xFFFFFC00  }
0x32: {  	[tilespmem:s29], [sflag:$0x5] =	stream.linear.gather [hbm4b:s31+s2], $0x400, $0x38;
	[tilespmem:$0x10D00] =	vst v63  }
0x33: {  	_ =	swait.ge [sflag:s28], $0x400  }
0x34: {  	[sflag:s28] =	ssyncset.done $0x0  }
0x35: {  	s26 =	simm.s32 $0x0;
	[sflag:s28] =	ssyncadd.s32 $0xFFFFFC00  }
0x36: {  	v3 =	vld [tilespmem:s26+$0x400]  }
0x37: {  	v4 =	vld [tilespmem:s26+$0x0]  }
0x38: {  	v5 =	vld [tilespmem:$0xC00]  }
0x39: {  	v6 =	vld [tilespmem:$0xC80];
	_ =	sdelay $0x2  }
0x3a: {  	vm1 =	veq.s32 v4, $0x1  }
0x3b: {  	v5 =	vnsel vm1, $0x0, v5;
	vm1 =	veq.s32 v4, $0x2  }
0x3c: {  	v3 =	vadd.s32 v3, v5;
	v4 =	vnsel vm1, $0x0, v6  }
0x3d: {  	v3 =	vadd.s32 v4, v3;
	v4 =	vld [tilespmem:s26+$0x410]  }
0x3e: {  	[tilespmem:s26+$0x800] =	vst v3;
	v3 =	vld [tilespmem:s26+$0x10]  }
0x3f: {  	v5 =	vld [tilespmem:$0xC00]  }
0x40: {  	v6 =	vld [tilespmem:$0xC80];
	_ =	sdelay $0x2  }
0x41: {  	vm1 =	veq.s32 v3, $0x1  }
0x42: {  	v5 =	vnsel vm1, $0x0, v5;
	vm1 =	veq.s32 v3, $0x2  }
0x43: {  	v3 =	vadd.s32 v4, v5;
	v4 =	vnsel vm1, $0x0, v6  }
0x44: {  	v3 =	vadd.s32 v4, v3;
	v4 =	vld [tilespmem:s26+$0x420]  }
0x45: {  	[tilespmem:s26+$0x810] =	vst v3;
	v3 =	vld [tilespmem:s26+$0x20]  }
0x46: {  	v5 =	vld [tilespmem:$0xC00]  }
0x47: {  	v6 =	vld [tilespmem:$0xC80];
	_ =	sdelay $0x2  }
0x48: {  	vm1 =	veq.s32 v3, $0x1  }
0x49: {  	v5 =	vnsel vm1, $0x0, v5;
	vm1 =	veq.s32 v3, $0x2  }
0x4a: {  	v3 =	vadd.s32 v4, v5;
	v4 =	vnsel vm1, $0x0, v6  }
0x4b: {  	v3 =	vadd.s32 v4, v3;
	v4 =	vld [tilespmem:s26+$0x430]  }
0x4c: {  	[tilespmem:s26+$0x820] =	vst v3;
	v3 =	vld [tilespmem:s26+$0x30]  }
0x4d: {  	v5 =	vld [tilespmem:$0xC00]  }
0x4e: {  	v6 =	vld [tilespmem:$0xC80];
	_ =	sdelay $0x2  }
0x4f: {  	vm1 =	veq.s32 v3, $0x1  }
0x50: {  	v5 =	vnsel vm1, $0x0, v5;
	vm1 =	veq.s32 v3, $0x2  }
0x51: {  	v3 =	vadd.s32 v4, v5;
	v4 =	vnsel vm1, $0x0, v6  }
0x52: {  	v3 =	vadd.s32 v4, v3;
	v4 =	vld [tilespmem:s26+$0x440]  }
0x53: {  	[tilespmem:s26+$0x830] =	vst v3;
	v3 =	vld [tilespmem:s26+$0x40]  }
0x54: {  	v5 =	vld [tilespmem:$0xC00]  }
0x55: {  	v6 =	vld [tilespmem:$0xC80];
	_ =	sdelay $0x2  }
0x56: {  	vm1 =	veq.s32 v3, $0x1  }
0x57: {  	v5 =	vnsel vm1, $0x0, v5;
	vm1 =	veq.s32 v3, $0x2  }
0x58: {  	v3 =	vadd.s32 v4, v5;
	v4 =	vnsel vm1, $0x0, v6  }
0x59: {  	v3 =	vadd.s32 v4, v3;
	v4 =	vld [tilespmem:s26+$0x450]  }
0x5a: {  	[tilespmem:s26+$0x840] =	vst v3;
	v3 =	vld [tilespmem:s26+$0x50]  }
0x5b: {  	v5 =	vld [tilespmem:$0xC00]  }
0x5c: {  	v6 =	vld [tilespmem:$0xC80];
	_ =	sdelay $0x2  }
0x5d: {  	vm1 =	veq.s32 v3, $0x1  }
0x5e: {  	v5 =	vnsel vm1, $0x0, v5;
	vm1 =	veq.s32 v3, $0x2  }
0x5f: {  	v3 =	vadd.s32 v4, v5;
	v4 =	vnsel vm1, $0x0, v6  }
0x60: {  	v3 =	vadd.s32 v4, v3;
	v4 =	vld [tilespmem:s26+$0x460]  }
0x61: {  	[tilespmem:s26+$0x850] =	vst v3;
	v3 =	vld [tilespmem:s26+$0x60]  }
0x62: {  	v5 =	vld [tilespmem:$0xC00]  }
0x63: {  	v6 =	vld [tilespmem:$0xC80];
	_ =	sdelay $0x2  }
0x64: {  	vm1 =	veq.s32 v3, $0x1  }
0x65: {  	v5 =	vnsel vm1, $0x0, v5;
	vm1 =	veq.s32 v3, $0x2  }
0x66: {  	v3 =	vadd.s32 v4, v5;
	v4 =	vnsel vm1, $0x0, v6  }
0x67: {  	v3 =	vadd.s32 v4, v3;
	v4 =	vld [tilespmem:s26+$0x470]  }
0x68: {  	[tilespmem:s26+$0x860] =	vst v3;
	v3 =	vld [tilespmem:s26+$0x70]  }
0x69: {  	v5 =	vld [tilespmem:$0xC00]  }
0x6a: {  	v6 =	vld [tilespmem:$0xC80];
	_ =	sdelay $0x2  }
0x6b: {  	vm1 =	veq.s32 v3, $0x1  }
0x6c: {  	v5 =	vnsel vm1, $0x0, v5;
	vm1 =	veq.s32 v3, $0x2  }
0x6d: {  	s29 =	simm.s32 $0x80;
	v4 =	vadd.s32 v4, v5;
	v5 =	vnsel vm1, $0x0, v6  }
0x6e: {  	s28 =	simm.s32 $0x400;
	v3 =	vld [tilespmem:s29+$0x400];
	v4 =	vadd.s32 v5, v4  }
.LBB2_2:
0x6f: {  	p0 =	sne.s32 s28, $0xE00;
	v5 =	vld [tilespmem:s29+$0x0];
	[tilespmem:s26+$0x870] =	vst v4;
	s26 =	smov.u32 s29  }
0x70: {  	v4 =	vld [tilespmem:$0xC00]  }
0x71: {  	v6 =	vld [tilespmem:$0xC80];
	_ =	sdelay $0x2  }
0x72: {  	vm1 =	veq.s32 v5, $0x1  }
0x73: {  	v4 =	vnsel vm1, $0x0, v4;
	vm1 =	veq.s32 v5, $0x2  }
0x74: {  	v3 =	vadd.s32 v3, v4;
	v4 =	vnsel vm1, $0x0, v6  }
0x75: {  	v3 =	vadd.s32 v4, v3;
	v4 =	vld [tilespmem:s26+$0x410]  }
0x76: {  	[tilespmem:s26+$0x800] =	vst v3;
	v3 =	vld [tilespmem:s26+$0x10]  }
0x77: {  	v5 =	vld [tilespmem:$0xC00]  }
0x78: {  	v6 =	vld [tilespmem:$0xC80];
	_ =	sdelay $0x2  }
0x79: {  	vm1 =	veq.s32 v3, $0x1  }
0x7a: {  	v5 =	vnsel vm1, $0x0, v5;
	vm1 =	veq.s32 v3, $0x2  }
0x7b: {  	v3 =	vadd.s32 v4, v5;
	v4 =	vnsel vm1, $0x0, v6  }
0x7c: {  	v3 =	vadd.s32 v4, v3;
	v4 =	vld [tilespmem:s26+$0x420]  }
0x7d: {  	[tilespmem:s26+$0x810] =	vst v3;
	v3 =	vld [tilespmem:s26+$0x20]  }
0x7e: {  	v5 =	vld [tilespmem:$0xC00]  }
0x7f: {  	v6 =	vld [tilespmem:$0xC80];
	_ =	sdelay $0x2  }
0x80: {  	vm1 =	veq.s32 v3, $0x1  }
0x81: {  	v5 =	vnsel vm1, $0x0, v5;
	vm1 =	veq.s32 v3, $0x2  }
0x82: {  	v3 =	vadd.s32 v4, v5;
	v4 =	vnsel vm1, $0x0, v6  }
0x83: {  	v3 =	vadd.s32 v4, v3;
	v4 =	vld [tilespmem:s26+$0x430]  }
0x84: {  	[tilespmem:s26+$0x820] =	vst v3;
	v3 =	vld [tilespmem:s26+$0x30]  }
0x85: {  	v5 =	vld [tilespmem:$0xC00]  }
0x86: {  	v6 =	vld [tilespmem:$0xC80];
	_ =	sdelay $0x2  }
0x87: {  	vm1 =	veq.s32 v3, $0x1  }
0x88: {  	v5 =	vnsel vm1, $0x0, v5;
	vm1 =	veq.s32 v3, $0x2  }
0x89: {  	v3 =	vadd.s32 v4, v5;
	v4 =	vnsel vm1, $0x0, v6  }
0x8a: {  	v3 =	vadd.s32 v4, v3;
	v4 =	vld [tilespmem:s26+$0x440]  }
0x8b: {  	[tilespmem:s26+$0x830] =	vst v3;
	v3 =	vld [tilespmem:s26+$0x40]  }
0x8c: {  	v5 =	vld [tilespmem:$0xC00]  }
0x8d: {  	v6 =	vld [tilespmem:$0xC80];
	_ =	sdelay $0x2  }
0x8e: {  	vm1 =	veq.s32 v3, $0x1  }
0x8f: {  	v5 =	vnsel vm1, $0x0, v5;
	vm1 =	veq.s32 v3, $0x2  }
0x90: {  	v3 =	vadd.s32 v4, v5;
	v4 =	vnsel vm1, $0x0, v6  }
0x91: {  	v3 =	vadd.s32 v4, v3;
	v4 =	vld [tilespmem:s26+$0x450]  }
0x92: {  	[tilespmem:s26+$0x840] =	vst v3;
	v3 =	vld [tilespmem:s26+$0x50]  }
0x93: {  	v5 =	vld [tilespmem:$0xC00]  }
0x94: {  	v6 =	vld [tilespmem:$0xC80];
	_ =	sdelay $0x2  }
0x95: {  	vm1 =	veq.s32 v3, $0x1  }
0x96: {  	v5 =	vnsel vm1, $0x0, v5;
	vm1 =	veq.s32 v3, $0x2  }
0x97: {  	v3 =	vadd.s32 v4, v5;
	v4 =	vnsel vm1, $0x0, v6  }
0x98: {  	v3 =	vadd.s32 v4, v3;
	v4 =	vld [tilespmem:s26+$0x460]  }
0x99: {  	[tilespmem:s26+$0x850] =	vst v3;
	v3 =	vld [tilespmem:s26+$0x60]  }
0x9a: {  	v5 =	vld [tilespmem:$0xC00]  }
0x9b: {  	v6 =	vld [tilespmem:$0xC80];
	_ =	sdelay $0x2  }
0x9c: {  	vm1 =	veq.s32 v3, $0x1  }
0x9d: {  	v5 =	vnsel vm1, $0x0, v5;
	vm1 =	veq.s32 v3, $0x2  }
0x9e: {  	v3 =	vadd.s32 v4, v5;
	v4 =	vnsel vm1, $0x0, v6  }
0x9f: {  	v3 =	vadd.s32 v4, v3;
	v4 =	vld [tilespmem:s26+$0x470]  }
0xa0: {  	[tilespmem:s26+$0x860] =	vst v3;
	v3 =	vld [tilespmem:s26+$0x70]  }
0xa1: {  	v5 =	vld [tilespmem:$0xC00]  }
0xa2: {  	v6 =	vld [tilespmem:$0xC80];
	_ =	sdelay $0x1  }
.Ltmp2:
0xa3: {  	(pc) =	sbr.rel @p0 .LBB2_2-.Ltmp2, $4  }
0xa4: {  	vm1 =	veq.s32 v3, $0x1  }
0xa5: {  	v5 =	vnsel vm1, $0x0, v5;
	vm1 =	veq.s32 v3, $0x2  }
0xa6: {  	s29 =	sshra.s32 s28, $0x2;
	v4 =	vadd.s32 v4, v5;
	v5 =	vnsel vm1, $0x0, v6  }
0xa7: {  	s28 =	sadd.s32 $0x200, s28;
	v3 =	vld [tilespmem:s29+$0x400];
	v4 =	vadd.s32 v5, v4  }
0xa8: {  	v5 =	vld [tilespmem:s29+$0x0];
	[tilespmem:s26+$0x870] =	vst v4  }
0xa9: {  	v4 =	vld [tilespmem:$0xC00]  }
0xaa: {  	v6 =	vld [tilespmem:$0xC80];
	_ =	sdelay $0x2  }
0xab: {  	vm1 =	veq.s32 v5, $0x1  }
0xac: {  	v4 =	vnsel vm1, $0x0, v4;
	vm1 =	veq.s32 v5, $0x2  }
0xad: {  	v3 =	vadd.s32 v3, v4;
	v35 =	vnsel vm1, $0x0, v6  }
0xae: {  	v36 =	vld [tilespmem:s29+$0x410];
	v3 =	vadd.s32 v35, v3  }
0xaf: {  	[tilespmem:s29+$0x800] =	vst v3;
	v3 =	vld [tilespmem:s29+$0x10]  }
0xb0: {  	v37 =	vld [tilespmem:$0xC00]  }
0xb1: {  	v38 =	vld [tilespmem:$0xC80];
	_ =	sdelay $0x2  }
0xb2: {  	vm1 =	veq.s32 v3, $0x1  }
0xb3: {  	v5 =	vnsel vm1, $0x0, v37;
	vm1 =	veq.s32 v3, $0x2  }
0xb4: {  	v3 =	vadd.s32 v36, v5;
	v39 =	vnsel vm1, $0x0, v38  }
0xb5: {  	v40 =	vld [tilespmem:s29+$0x420];
	v3 =	vadd.s32 v39, v3  }
0xb6: {  	[tilespmem:s29+$0x810] =	vst v3;
	v3 =	vld [tilespmem:s29+$0x20]  }
0xb7: {  	v41 =	vld [tilespmem:$0xC00]  }
0xb8: {  	v42 =	vld [tilespmem:$0xC80];
	_ =	sdelay $0x2  }
0xb9: {  	vm1 =	veq.s32 v3, $0x1  }
0xba: {  	v5 =	vnsel vm1, $0x0, v41;
	vm1 =	veq.s32 v3, $0x2  }
0xbb: {  	v3 =	vadd.s32 v40, v5;
	v43 =	vnsel vm1, $0x0, v42  }
0xbc: {  	v44 =	vld [tilespmem:s29+$0x430];
	v3 =	vadd.s32 v43, v3  }
0xbd: {  	[tilespmem:s29+$0x820] =	vst v3;
	v3 =	vld [tilespmem:s29+$0x30]  }
0xbe: {  	v45 =	vld [tilespmem:$0xC00]  }
0xbf: {  	v46 =	vld [tilespmem:$0xC80];
	_ =	sdelay $0x2  }
0xc0: {  	vm1 =	veq.s32 v3, $0x1  }
0xc1: {  	v5 =	vnsel vm1, $0x0, v45;
	vm1 =	veq.s32 v3, $0x2  }
0xc2: {  	v3 =	vadd.s32 v44, v5;
	v47 =	vnsel vm1, $0x0, v46  }
0xc3: {  	v48 =	vld [tilespmem:s29+$0x440];
	v3 =	vadd.s32 v47, v3  }
0xc4: {  	[tilespmem:s29+$0x830] =	vst v3;
	v3 =	vld [tilespmem:s29+$0x40]  }
0xc5: {  	v49 =	vld [tilespmem:$0xC00]  }
0xc6: {  	v50 =	vld [tilespmem:$0xC80];
	_ =	sdelay $0x2  }
0xc7: {  	vm1 =	veq.s32 v3, $0x1  }
0xc8: {  	v5 =	vnsel vm1, $0x0, v49;
	vm1 =	veq.s32 v3, $0x2  }
0xc9: {  	v3 =	vadd.s32 v48, v5;
	v51 =	vnsel vm1, $0x0, v50  }
0xca: {  	v52 =	vld [tilespmem:s29+$0x450];
	v3 =	vadd.s32 v51, v3  }
0xcb: {  	[tilespmem:s29+$0x840] =	vst v3;
	v3 =	vld [tilespmem:s29+$0x50]  }
0xcc: {  	v53 =	vld [tilespmem:$0xC00]  }
0xcd: {  	v54 =	vld [tilespmem:$0xC80];
	_ =	sdelay $0x2  }
0xce: {  	vm1 =	veq.s32 v3, $0x1  }
0xcf: {  	v5 =	vnsel vm1, $0x0, v53;
	vm1 =	veq.s32 v3, $0x2  }
0xd0: {  	v3 =	vadd.s32 v52, v5;
	v55 =	vnsel vm1, $0x0, v54  }
0xd1: {  	v56 =	vld [tilespmem:s29+$0x460];
	v3 =	vadd.s32 v55, v3  }
0xd2: {  	[tilespmem:s29+$0x850] =	vst v3;
	v3 =	vld [tilespmem:s29+$0x60]  }
0xd3: {  	v57 =	vld [tilespmem:$0xC00]  }
0xd4: {  	v58 =	vld [tilespmem:$0xC80];
	_ =	sdelay $0x2  }
0xd5: {  	vm1 =	veq.s32 v3, $0x1  }
0xd6: {  	v5 =	vnsel vm1, $0x0, v57;
	vm1 =	veq.s32 v3, $0x2  }
0xd7: {  	v3 =	vadd.s32 v56, v5;
	v59 =	vnsel vm1, $0x0, v58  }
0xd8: {  	v60 =	vld [tilespmem:s29+$0x470];
	v3 =	vadd.s32 v59, v3  }
0xd9: {  	[tilespmem:s29+$0x860] =	vst v3;
	v3 =	vld [tilespmem:s29+$0x70]  }
0xda: {  	v61 =	vld [tilespmem:$0xC00]  }
0xdb: {  	v62 =	vld [tilespmem:$0xC80];
	_ =	sdelay $0x2  }
0xdc: {  	vm1 =	veq.s32 v3, $0x1  }
0xdd: {  	v5 =	vnsel vm1, $0x0, v61;
	vm1 =	veq.s32 v3, $0x2  }
0xde: {  	v3 =	vadd.s32 v60, v5;
	v63 =	vnsel vm1, $0x0, v62  }
0xdf: {  	v3 =	vadd.s32 v63, v3  }
0xe0: {  	s30 =	rddreg [dreg:$0x7];
	[tilespmem:s29+$0x870] =	vst v3  }
0xe1: {  	[tilespmem:s16], [sflag:$0x1] =	stream.linear.gather [hbm4b:s30+s2], $0x8000, $0x38;
	[tilespmem:$0x10D00] =	vst v63  }
0xe2: {  	s31 =	rddreg [dreg:$0x9];
	s26 =	simm.s32 $0xFFFFA000;
	s28 =	simm.s32 $0x880  }
0xe3: {  	[tilespmem:s17], [sflag:$0x2] =	stream.linear.gather [hbm4b:s31+s2], $0x8000, $0x38;
	[tilespmem:$0x10D00] =	vst v63  }
.LBB2_4:
0xe4: {  	_ =	swait.ge [sflag:s18], $0x8000  }
0xe5: {  	[sflag:s18] =	ssyncset.done $0x0  }
0xe6: {  	[sflag:s18] =	ssyncadd.s32 $0xFFFF8000  }
0xe7: {  	v3 =	vld [tilespmem:s28+$0xFFFFFF80];
	_ =	sdelay $0x4  }
0xe8: {  	v4 =	vshll.u32 v3, $0x1  }
0xe9: {  	v3 =	vand.u32 $0x7, v3;
	v4 =	vand.u32 $0xFFFFFFF0, v4  }
0xea: {  	v3 =	vor.u32 v3, v4  }
0xeb: {  	v4 =	vperm.xlane v3, v0;
	_ =	sdelay $0x1  }
0xec: {  	v3 =	vperm.xlane v3, v2;
	v4 =	vadd.s32 v1, v4;
	_ =	sdelay $0x1  }
0xed: {  	v3 =	vadd.s32 v1, v3;
	_ =	sdelay $0x2  }
0xee: {  	[hbm4b:s5+s2] =	stream.indirect_vreg.scatter [tilespmem:s16], [sflag:$0x3], $0x80, v4, vm0, $0xb8;
	[tilespmem:$0x10D00] =	vst v63  }
0xef: {  	s29 =	simm.s32 $0x1500  }
0xf0: {  	[hbm4b:s5+s2] =	stream.indirect_vreg.scatter [tilespmem:s29], [sflag:$0x3], $0x80, v3, vm0, $0xb8;
	[tilespmem:$0x10D00] =	vst v63  }
0xf1: {  	v3 =	vld [tilespmem:s28+$0xFFFFFF90];
	_ =	sdelay $0x4  }
0xf2: {  	v49 =	vshll.u32 v3, $0x1  }
0xf3: {  	v3 =	vand.u32 $0x7, v3;
	v4 =	vand.u32 $0xFFFFFFF0, v49  }
0xf4: {  	v3 =	vor.u32 v3, v4  }
0xf5: {  	v4 =	vperm.xlane v3, v0;
	_ =	sdelay $0x1  }
0xf6: {  	v3 =	vperm.xlane v3, v2;
	v4 =	vadd.s32 v1, v4;
	_ =	sdelay $0x1  }
0xf7: {  	v3 =	vadd.s32 v1, v3;
	_ =	sdelay $0x1  }
0xf8: {  	s31 =	simm.s32 $0x1D00  }
0xf9: {  	[hbm4b:s5+s2] =	stream.indirect_vreg.scatter [tilespmem:s31], [sflag:$0x3], $0x80, v4, vm0, $0xb8;
	[tilespmem:$0x10D00] =	vst v63  }
0xfa: {  	s30 =	simm.s32 $0x2500  }
0xfb: {  	[hbm4b:s5+s2] =	stream.indirect_vreg.scatter [tilespmem:s30], [sflag:$0x3], $0x80, v3, vm0, $0xb8;
	[tilespmem:$0x10D00] =	vst v63  }
0xfc: {  	v3 =	vld [tilespmem:s28+$0xFFFFFFA0];
	_ =	sdelay $0x4  }
0xfd: {  	v50 =	vshll.u32 v3, $0x1  }
0xfe: {  	v3 =	vand.u32 $0x7, v3;
	v4 =	vand.u32 $0xFFFFFFF0, v50  }
0xff: {  	v3 =	vor.u32 v3, v4  }
0x100: {  	v4 =	vperm.xlane v3, v0;
	_ =	sdelay $0x1  }
0x101: {  	v3 =	vperm.xlane v3, v2;
	v4 =	vadd.s32 v1, v4;
	_ =	sdelay $0x1  }
0x102: {  	v3 =	vadd.s32 v1, v3;
	_ =	sdelay $0x1  }
0x103: {  	s31 =	simm.s32 $0x2D00  }
0x104: {  	[hbm4b:s5+s2] =	stream.indirect_vreg.scatter [tilespmem:s31], [sflag:$0x3], $0x80, v4, vm0, $0xb8;
	[tilespmem:$0x10D00] =	vst v63  }
0x105: {  	s30 =	simm.s32 $0x3500  }
0x106: {  	[hbm4b:s5+s2] =	stream.indirect_vreg.scatter [tilespmem:s30], [sflag:$0x3], $0x80, v3, vm0, $0xb8;
	[tilespmem:$0x10D00] =	vst v63  }
0x107: {  	v3 =	vld [tilespmem:s28+$0xFFFFFFB0];
	_ =	sdelay $0x4  }
0x108: {  	v51 =	vshll.u32 v3, $0x1  }
0x109: {  	v3 =	vand.u32 $0x7, v3;
	v4 =	vand.u32 $0xFFFFFFF0, v51  }
0x10a: {  	v3 =	vor.u32 v3, v4  }
0x10b: {  	v4 =	vperm.xlane v3, v0;
	_ =	sdelay $0x1  }
0x10c: {  	v3 =	vperm.xlane v3, v2;
	v4 =	vadd.s32 v1, v4;
	_ =	sdelay $0x1  }
0x10d: {  	v3 =	vadd.s32 v1, v3;
	_ =	sdelay $0x1  }
0x10e: {  	s31 =	simm.s32 $0x3D00  }
0x10f: {  	[hbm4b:s5+s2] =	stream.indirect_vreg.scatter [tilespmem:s31], [sflag:$0x3], $0x80, v4, vm0, $0xb8;
	[tilespmem:$0x10D00] =	vst v63  }
0x110: {  	s30 =	simm.s32 $0x4500  }
0x111: {  	[hbm4b:s5+s2] =	stream.indirect_vreg.scatter [tilespmem:s30], [sflag:$0x3], $0x80, v3, vm0, $0xb8;
	[tilespmem:$0x10D00] =	vst v63  }
0x112: {  	v3 =	vld [tilespmem:s28+$0xFFFFFFC0];
	_ =	sdelay $0x4  }
0x113: {  	v52 =	vshll.u32 v3, $0x1  }
0x114: {  	v3 =	vand.u32 $0x7, v3;
	v4 =	vand.u32 $0xFFFFFFF0, v52  }
0x115: {  	v3 =	vor.u32 v3, v4  }
0x116: {  	v4 =	vperm.xlane v3, v0;
	_ =	sdelay $0x1  }
0x117: {  	v3 =	vperm.xlane v3, v2;
	v4 =	vadd.s32 v1, v4;
	_ =	sdelay $0x1  }
0x118: {  	v3 =	vadd.s32 v1, v3;
	_ =	sdelay $0x1  }
0x119: {  	s31 =	simm.s32 $0x4D00  }
0x11a: {  	[hbm4b:s5+s2] =	stream.indirect_vreg.scatter [tilespmem:s31], [sflag:$0x3], $0x80, v4, vm0, $0xb8;
	[tilespmem:$0x10D00] =	vst v63  }
0x11b: {  	s30 =	simm.s32 $0x5500  }
0x11c: {  	[hbm4b:s5+s2] =	stream.indirect_vreg.scatter [tilespmem:s30], [sflag:$0x3], $0x80, v3, vm0, $0xb8;
	[tilespmem:$0x10D00] =	vst v63  }
0x11d: {  	v3 =	vld [tilespmem:s28+$0xFFFFFFD0];
	_ =	sdelay $0x4  }
0x11e: {  	v53 =	vshll.u32 v3, $0x1  }
0x11f: {  	v3 =	vand.u32 $0x7, v3;
	v4 =	vand.u32 $0xFFFFFFF0, v53  }
0x120: {  	v3 =	vor.u32 v3, v4  }
0x121: {  	v4 =	vperm.xlane v3, v0;
	_ =	sdelay $0x1  }
0x122: {  	v3 =	vperm.xlane v3, v2;
	v4 =	vadd.s32 v1, v4;
	_ =	sdelay $0x1  }
0x123: {  	v3 =	vadd.s32 v1, v3;
	_ =	sdelay $0x1  }
0x124: {  	s31 =	simm.s32 $0x5D00  }
0x125: {  	[hbm4b:s5+s2] =	stream.indirect_vreg.scatter [tilespmem:s31], [sflag:$0x3], $0x80, v4, vm0, $0xb8;
	[tilespmem:$0x10D00] =	vst v63  }
0x126: {  	s30 =	simm.s32 $0x6500  }
0x127: {  	[hbm4b:s5+s2] =	stream.indirect_vreg.scatter [tilespmem:s30], [sflag:$0x3], $0x80, v3, vm0, $0xb8;
	[tilespmem:$0x10D00] =	vst v63  }
0x128: {  	v3 =	vld [tilespmem:s28+$0xFFFFFFE0];
	_ =	sdelay $0x4  }
0x129: {  	v54 =	vshll.u32 v3, $0x1  }
0x12a: {  	v3 =	vand.u32 $0x7, v3;
	v4 =	vand.u32 $0xFFFFFFF0, v54  }
0x12b: {  	v3 =	vor.u32 v3, v4  }
0x12c: {  	v4 =	vperm.xlane v3, v0;
	_ =	sdelay $0x1  }
0x12d: {  	v3 =	vperm.xlane v3, v2;
	v4 =	vadd.s32 v1, v4;
	_ =	sdelay $0x1  }
0x12e: {  	v3 =	vadd.s32 v1, v3;
	_ =	sdelay $0x1  }
0x12f: {  	s31 =	simm.s32 $0x6D00  }
0x130: {  	[hbm4b:s5+s2] =	stream.indirect_vreg.scatter [tilespmem:s31], [sflag:$0x3], $0x80, v4, vm0, $0xb8;
	[tilespmem:$0x10D00] =	vst v63  }
0x131: {  	_ = 	snop  }
0x132: {  	[hbm4b:s5+s2] =	stream.indirect_vreg.scatter [tilespmem:s1], [sflag:$0x3], $0x80, v3, vm0, $0xb8;
	[tilespmem:$0x10D00] =	vst v63  }
0x133: {  	v3 =	vld [tilespmem:s28+$0xFFFFFFF0];
	_ =	sdelay $0x4  }
0x134: {  	v55 =	vshll.u32 v3, $0x1  }
0x135: {  	v3 =	vand.u32 $0x7, v3;
	v4 =	vand.u32 $0xFFFFFFF0, v55  }
0x136: {  	v3 =	vor.u32 v3, v4  }
0x137: {  	v4 =	vperm.xlane v3, v0;
	_ =	sdelay $0x1  }
0x138: {  	v3 =	vperm.xlane v3, v2;
	v4 =	vadd.s32 v1, v4;
	_ =	sdelay $0x1  }
0x139: {  	v3 =	vadd.s32 v1, v3;
	_ =	sdelay $0x1  }
0x13a: {  	p0 =	seq.s32 s26, $0x0  }
0x13b: {  	[hbm4b:s5+s2] =	stream.indirect_vreg.scatter [tilespmem:s0], [sflag:$0x3], $0x80, v4, vm0, $0xb8;
	[tilespmem:$0x10D00] =	vst v63  }
0x13c: {  	s29 =	simm.s32 @!p0 $0x3  }
0x13d: {  	[hbm4b:s5+s2] =	stream.indirect_vreg.scatter [tilespmem:s12], [sflag:$0x3], $0x80, v3, vm0, $0xb8;
	[tilespmem:$0x10D00] =	vst v63  }
0x13e: {  	_ =	swait.ge @!p0 [sflag:s29], $0x8000  }
0x13f: {  	[sflag:s29] =	ssyncset.done @!p0 $0x0  }
0x140: {  	[sflag:s29] =	ssyncadd.s32 @!p0 $0xFFFF8000;
	s29 =	sadd.s32 @!p0 s26, s11  }
0x141: {  	s30 =	simm.s32 @!p0 $0x0;
	s31 =	simm.s32 @!p0 $0xD00;
	s29 =	sadd.s32 @!p0 $0x8000, s29  }
0x142: {  	[tilespmem:s31], [sflag:$0x1] =	stream.linear.gather @!p0 [hbm4b:s29+s30], $0x8000, $0x38;
	[tilespmem:$0x10D00] =	vst v63  }
0x143: {  	_ =	swait.ge [sflag:s14], $0x8000  }
0x144: {  	[sflag:s14] =	ssyncset.done $0x0  }
0x145: {  	[sflag:s14] =	ssyncadd.s32 $0xFFFF8000  }
0x146: {  	v3 =	vld [tilespmem:s28+$0x0];
	_ =	sdelay $0x4  }
0x147: {  	v56 =	vshll.u32 v3, $0x1  }
0x148: {  	v3 =	vand.u32 $0x7, v3;
	v4 =	vand.u32 $0xFFFFFFF0, v56  }
0x149: {  	v3 =	vor.u32 v3, v4  }
0x14a: {  	v4 =	vperm.xlane v3, v0;
	_ =	sdelay $0x1  }
0x14b: {  	v3 =	vperm.xlane v3, v2;
	v4 =	vadd.s32 v1, v4;
	_ =	sdelay $0x1  }
0x14c: {  	v3 =	vadd.s32 v1, v3;
	_ =	sdelay $0x2  }
0x14d: {  	[hbm4b:s5+s2] =	stream.indirect_vreg.scatter [tilespmem:s17], [sflag:$0x4], $0x80, v4, vm0, $0xb8;
	[tilespmem:$0x10D00] =	vst v63  }
0x14e: {  	_ = 	snop  }
0x14f: {  	[hbm4b:s5+s2] =	stream.indirect_vreg.scatter [tilespmem:s15], [sflag:$0x4], $0x80, v3, vm0, $0xb8;
	[tilespmem:$0x10D00] =	vst v63  }
0x150: {  	v3 =	vld [tilespmem:s28+$0x10];
	_ =	sdelay $0x4  }
0x151: {  	v57 =	vshll.u32 v3, $0x1  }
0x152: {  	v3 =	vand.u32 $0x7, v3;
	v4 =	vand.u32 $0xFFFFFFF0, v57  }
0x153: {  	v3 =	vor.u32 v3, v4  }
0x154: {  	v4 =	vperm.xlane v3, v0;
	_ =	sdelay $0x1  }
0x155: {  	v3 =	vperm.xlane v3, v2;
	v4 =	vadd.s32 v1, v4;
	_ =	sdelay $0x1  }
0x156: {  	v3 =	vadd.s32 v1, v3;
	_ =	sdelay $0x2  }
0x157: {  	[hbm4b:s5+s2] =	stream.indirect_vreg.scatter [tilespmem:s3], [sflag:$0x4], $0x80, v4, vm0, $0xb8;
	[tilespmem:$0x10D00] =	vst v63  }
0x158: {  	_ = 	snop  }
0x159: {  	[hbm4b:s5+s2] =	stream.indirect_vreg.scatter [tilespmem:s4], [sflag:$0x4], $0x80, v3, vm0, $0xb8;
	[tilespmem:$0x10D00] =	vst v63  }
0x15a: {  	v3 =	vld [tilespmem:s28+$0x20];
	_ =	sdelay $0x4  }
0x15b: {  	v58 =	vshll.u32 v3, $0x1  }
0x15c: {  	v3 =	vand.u32 $0x7, v3;
	v4 =	vand.u32 $0xFFFFFFF0, v58  }
0x15d: {  	v3 =	vor.u32 v3, v4  }
0x15e: {  	v4 =	vperm.xlane v3, v0;
	_ =	sdelay $0x1  }
0x15f: {  	v3 =	vperm.xlane v3, v2;
	v4 =	vadd.s32 v1, v4;
	_ =	sdelay $0x1  }
0x160: {  	v3 =	vadd.s32 v1, v3;
	_ =	sdelay $0x2  }
0x161: {  	[hbm4b:s5+s2] =	stream.indirect_vreg.scatter [tilespmem:s6], [sflag:$0x4], $0x80, v4, vm0, $0xb8;
	[tilespmem:$0x10D00] =	vst v63  }
0x162: {  	_ = 	snop  }
0x163: {  	[hbm4b:s5+s2] =	stream.indirect_vreg.scatter [tilespmem:s8], [sflag:$0x4], $0x80, v3, vm0, $0xb8;
	[tilespmem:$0x10D00] =	vst v63  }
0x164: {  	v3 =	vld [tilespmem:s28+$0x30];
	_ =	sdelay $0x4  }
0x165: {  	v59 =	vshll.u32 v3, $0x1  }
0x166: {  	v3 =	vand.u32 $0x7, v3;
	v4 =	vand.u32 $0xFFFFFFF0, v59  }
0x167: {  	v3 =	vor.u32 v3, v4  }
0x168: {  	v4 =	vperm.xlane v3, v0;
	_ =	sdelay $0x1  }
0x169: {  	v3 =	vperm.xlane v3, v2;
	v4 =	vadd.s32 v1, v4;
	_ =	sdelay $0x1  }
0x16a: {  	v3 =	vadd.s32 v1, v3;
	_ =	sdelay $0x2  }
0x16b: {  	[hbm4b:s5+s2] =	stream.indirect_vreg.scatter [tilespmem:s9], [sflag:$0x4], $0x80, v4, vm0, $0xb8;
	[tilespmem:$0x10D00] =	vst v63  }
0x16c: {  	_ = 	snop  }
0x16d: {  	[hbm4b:s5+s2] =	stream.indirect_vreg.scatter [tilespmem:s10], [sflag:$0x4], $0x80, v3, vm0, $0xb8;
	[tilespmem:$0x10D00] =	vst v63  }
0x16e: {  	v3 =	vld [tilespmem:s28+$0x40];
	_ =	sdelay $0x4  }
0x16f: {  	v60 =	vshll.u32 v3, $0x1  }
0x170: {  	v3 =	vand.u32 $0x7, v3;
	v4 =	vand.u32 $0xFFFFFFF0, v60  }
0x171: {  	v3 =	vor.u32 v3, v4  }
0x172: {  	v4 =	vperm.xlane v3, v0;
	_ =	sdelay $0x1  }
0x173: {  	v3 =	vperm.xlane v3, v2;
	v4 =	vadd.s32 v1, v4;
	_ =	sdelay $0x1  }
0x174: {  	v3 =	vadd.s32 v1, v3;
	_ =	sdelay $0x2  }
0x175: {  	[hbm4b:s5+s2] =	stream.indirect_vreg.scatter [tilespmem:s7], [sflag:$0x4], $0x80, v4, vm0, $0xb8;
	[tilespmem:$0x10D00] =	vst v63  }
0x176: {  	_ = 	snop  }
0x177: {  	[hbm4b:s5+s2] =	stream.indirect_vreg.scatter [tilespmem:s13], [sflag:$0x4], $0x80, v3, vm0, $0xb8;
	[tilespmem:$0x10D00] =	vst v63  }
0x178: {  	v3 =	vld [tilespmem:s28+$0x50];
	_ =	sdelay $0x4  }
0x179: {  	v61 =	vshll.u32 v3, $0x1  }
0x17a: {  	v3 =	vand.u32 $0x7, v3;
	v4 =	vand.u32 $0xFFFFFFF0, v61  }
0x17b: {  	v3 =	vor.u32 v3, v4  }
0x17c: {  	v4 =	vperm.xlane v3, v0;
	_ =	sdelay $0x1  }
0x17d: {  	v3 =	vperm.xlane v3, v2;
	v4 =	vadd.s32 v1, v4;
	_ =	sdelay $0x1  }
0x17e: {  	v3 =	vadd.s32 v1, v3;
	_ =	sdelay $0x2  }
0x17f: {  	[hbm4b:s5+s2] =	stream.indirect_vreg.scatter [tilespmem:s19], [sflag:$0x4], $0x80, v4, vm0, $0xb8;
	[tilespmem:$0x10D00] =	vst v63  }
0x180: {  	_ = 	snop  }
0x181: {  	[hbm4b:s5+s2] =	stream.indirect_vreg.scatter [tilespmem:s20], [sflag:$0x4], $0x80, v3, vm0, $0xb8;
	[tilespmem:$0x10D00] =	vst v63  }
0x182: {  	v3 =	vld [tilespmem:s28+$0x60];
	_ =	sdelay $0x4  }
0x183: {  	v62 =	vshll.u32 v3, $0x1  }
0x184: {  	v3 =	vand.u32 $0x7, v3;
	v4 =	vand.u32 $0xFFFFFFF0, v62  }
0x185: {  	v3 =	vor.u32 v3, v4  }
0x186: {  	v4 =	vperm.xlane v3, v0;
	_ =	sdelay $0x1  }
0x187: {  	v3 =	vperm.xlane v3, v2;
	v4 =	vadd.s32 v1, v4;
	_ =	sdelay $0x1  }
0x188: {  	v3 =	vadd.s32 v1, v3;
	_ =	sdelay $0x2  }
0x189: {  	[hbm4b:s5+s2] =	stream.indirect_vreg.scatter [tilespmem:s21], [sflag:$0x4], $0x80, v4, vm0, $0xb8;
	[tilespmem:$0x10D00] =	vst v63  }
0x18a: {  	_ = 	snop  }
0x18b: {  	[hbm4b:s5+s2] =	stream.indirect_vreg.scatter [tilespmem:s22], [sflag:$0x4], $0x80, v3, vm0, $0xb8;
	[tilespmem:$0x10D00] =	vst v63  }
0x18c: {  	v3 =	vld [tilespmem:s28+$0x70];
	_ =	sdelay $0x4  }
0x18d: {  	v63 =	vshll.u32 v3, $0x1  }
0x18e: {  	v3 =	vand.u32 $0x7, v3;
	v4 =	vand.u32 $0xFFFFFFF0, v63  }
0x18f: {  	v3 =	vor.u32 v3, v4  }
0x190: {  	v4 =	vperm.xlane v3, v0;
	_ =	sdelay $0x1  }
0x191: {  	v3 =	vperm.xlane v3, v2;
	v4 =	vadd.s32 v1, v4;
	_ =	sdelay $0x1  }
0x192: {  	v3 =	vadd.s32 v1, v3  }
.Ltmp3:
0x193: {  	_ = 	snop;
	(pc) =	sbr.rel @p0 .LBB2_6-.Ltmp3, $4  }
0x194: {  	_ = 	snop  }
0x195: {  	[hbm4b:s5+s2] =	stream.indirect_vreg.scatter [tilespmem:s23], [sflag:$0x4], $0x80, v4, vm0, $0xb8;
	[tilespmem:$0x10D00] =	vst v63  }
0x196: {  	_ = 	snop  }
0x197: {  	[hbm4b:s5+s2] =	stream.indirect_vreg.scatter [tilespmem:s24], [sflag:$0x4], $0x80, v3, vm0, $0xb8;
	[tilespmem:$0x10D00] =	vst v63  }
.Ltmp4:
0x198: {  	(pc) =	sbr.rel .LBB2_4-.Ltmp4, $4  }
0x199: {  	_ =	swait.ge [sflag:s25], $0x8000  }
0x19a: {  	s29 =	sadd.s32 s26, s11;
	s26 =	sadd.s32 $0x2000, s26;
	[sflag:s25] =	ssyncset.done $0x0  }
0x19b: {  	s28 =	sadd.s32 $0x100, s28;
	s29 =	sadd.s32 $0x9000, s29;
	[sflag:s25] =	ssyncadd.s32 $0xFFFF8000  }
0x19c: {  	[tilespmem:s17], [sflag:$0x2] =	stream.linear.gather [hbm4b:s29+s2], $0x8000, $0x38;
	[tilespmem:$0x10D00] =	vst v63  }
.LBB2_7:
0x19d: {  	_ =	sfence.sel $0x180000  }
0x19e: {  	[bflag:$0x0] =	sbarrier.arrive $0xFFFF  }
0x19f: {  	_ =	strace $0x90000047  }
0x1a0: {  	s0 =	stileid.u32;
	[bflag:$0x2] =	sbarrier.arrive $0xFFFF  }
0x1a1: {  	p0 =	sne.s32 s0, $0x0;
	s0 =	rddreg [dreg:$0x3]  }
0x1a2: {  	s0 =	sadd.s32 @!p0 $0x100000, s0  }
0x1a3: {  	[sflag:s0] =	ssyncadd.tile.s32 @!p0 $0x1;
	_ =	shalt  }
.Lfunc_end2:
_tile_overlayer_lowered:
.L_overlay_start_2:
0x1a4: {  	(tag) =	ssettag $0x2  }
0x1a5: {  	s0 =	rddreg [dreg:$0x0];
	s2 =	stileid.u32  }
0x1a6: {  	s1 =	rddreg [dreg:$0x1];
	p0 =	sne.s32 s2, $0x0  }
0x1a7: {  	s3 =	rddreg [dreg:$0x2];
	[bflag:$0x3] =	sbarrier.arrive $0xFFFF;
	s2 =	simm.s32 @!p0 $0x1C05  }
0x1a8: {  	[timem:s3], [sflag:s2] =	dma.local @!p0 [hbm:s0], s1  }
0x1a9: {  	s0 =	simm.s32 @!p0 $0x5  }
0x1aa: {  	_ =	swait.ge @!p0 [sflag:s0], s1  }
0x1ab: {  	s1 =	ssub.s32 @!p0 $0x0, s1;
	[sflag:s0] =	ssyncset.done @!p0 $0x0  }
0x1ac: {  	[sflag:s0] =	ssyncadd.s32 @!p0 s1  }
0x1ad: {  	[bflag:$0x3] =	sbarrier.arrive $0xFFFF  }
0x1ae: {  	_ =	shalt  }

</sc_bundles>
